<compile_context>
chip_gen: v7x
topology: tpu7x:2x2x1
jax: 0.10.2.dev20260603
libtpu: 0.0.44.dev20260713+nightly
codegen_flags: <defaults>
</compile_context>

<pallas_src>
import jax
import jax.numpy as jnp
from jax import lax
from jax.experimental import pallas as pl
from jax.experimental.pallas import tpu as pltpu
from jax.experimental.pallas import tpu_sc as plsc

MAX_LENGTH = 200
DIM = 64
BATCH = 4096
SEQ = 200

_TCB = 2816
_BB = 256
_NCOPY_TC = _TCB // _BB

_SCB = BATCH - _TCB
_NC, _NS = 2, 16
_NW = _NC * _NS
_RPW = _SCB // _NW
_BUF_B = 4
_NCOPY_SC = _RPW // _BUF_B


def _tc_kernel(tab_ref, out_ref, rowbuf, scratch, sems):
    row = tab_ref[MAX_LENGTH, :]
    for s in range(SEQ):
        rowbuf[:, pl.ds(s * DIM, DIM)] = row[None, :]
    scratch[...] = jnp.broadcast_to(rowbuf[...], scratch.shape)
    for i in range(_NCOPY_TC):
        pltpu.make_async_copy(
            scratch, out_ref.at[pl.ds(i * _BB, _BB)], sems.at[i]).start()
    for i in range(_NCOPY_TC):
        pltpu.make_async_copy(
            scratch, out_ref.at[pl.ds(i * _BB, _BB)], sems.at[i]).wait()


def _sc_body(tab_hbm, out_hbm, row_v, buf, sem):
    wid = lax.axis_index("s") * _NC + lax.axis_index("c")
    base = wid * _RPW
    pltpu.sync_copy(tab_hbm.at[pl.ds(MAX_LENGTH, 1)], row_v)
    chunks = [row_v[0, pl.ds(16 * j, 16)] for j in range(DIM // 16)]

    def fill(s, carry):
        for b in range(_BUF_B):
            for j in range(DIM // 16):
                buf[b, pl.ds(s * DIM + 16 * j, 16)] = chunks[j]
        return carry

    lax.fori_loop(0, SEQ, fill, 0)

    copies = [
        pltpu.async_copy(buf, out_hbm.at[pl.ds(base + i * _BUF_B, _BUF_B)], sem)
        for i in range(_NCOPY_SC)
    ]
    for c in copies:
        c.wait()


def kernel(inputs, kernel):
    del inputs
    flat_tc = pl.pallas_call(
        _tc_kernel,
        in_specs=[pl.BlockSpec(memory_space=pltpu.MemorySpace.VMEM)],
        out_specs=pl.BlockSpec(memory_space=pltpu.MemorySpace.HBM),
        out_shape=jax.ShapeDtypeStruct((_TCB, SEQ * DIM), jnp.float32),
        scratch_shapes=[
            pltpu.VMEM((1, SEQ * DIM), jnp.float32),
            pltpu.VMEM((_BB, SEQ * DIM), jnp.float32),
            pltpu.SemaphoreType.DMA((_NCOPY_TC,)),
        ],
    )(kernel)

    flat_sc = pl.kernel(
        _sc_body,
        mesh=plsc.VectorSubcoreMesh(core_axis_name="c", subcore_axis_name="s"),
        out_type=jax.ShapeDtypeStruct((_SCB, SEQ * DIM), jnp.float32),
        scratch_types=[
            pltpu.VMEM((1, DIM), jnp.float32),
            pltpu.VMEM((_BUF_B, SEQ * DIM), jnp.float32),
            pltpu.SemaphoreType.DMA,
        ],
    )(kernel)

    flat = jnp.concatenate([flat_tc, flat_sc], axis=0)
    return jnp.reshape(flat, (BATCH, SEQ, DIM))

# --- scband reference (transcript-rebuilt; emitter-appended) ---
"""Pipeline reference for scband-position-embedding-18305150615626 (READ-ONLY COPY).

The authoritative reference and input builder live on the scoring server;
editing this copy changes nothing except your own understanding.
"""

import jax, jax.numpy as jnp
import numpy as np

MAX_LENGTH = 200
DIM = 64
BATCH = 4096
SEQ = 200

def setup_inputs(seed: int = 0) -> dict:
    key = jax.random.key(seed)
    k1, k2 = jax.random.split(key)
    inputs = jax.random.normal(k1, (BATCH, SEQ), dtype=jnp.float32)
    # glorot_uniform init for kernel of shape (max_length + 1, dim)
    fan_in, fan_out = MAX_LENGTH + 1, DIM
    limit = float(np.sqrt(6.0 / (fan_in + fan_out)))
    kernel = jax.random.uniform(k2, (MAX_LENGTH + 1, DIM), dtype=jnp.float32, minval=-limit, maxval=limit)
    return {"inputs": inputs, "kernel": kernel}

def reference(inputs, kernel):
    # Faithful translation of PositionEmbedding.call
    x = inputs
    while x.ndim > 2:
        x = x[..., 0]
    positions = jnp.cumsum(jnp.ones_like(x, dtype=jnp.int32), axis=-1) - 1
    # NOTE: original keras code uses kb.maximum (likely a bug vs minimum); kept faithful.
    positions = jnp.maximum(positions, MAX_LENGTH)
    answer = jnp.take(kernel, positions, axis=0)
    return answer

if __name__ == "__main__":
    import jax
    _d = setup_inputs()
    print(jax.jit(kernel)(*tuple(_d.values())))

</pallas_src>

<mosaic_0001>
#map = affine_map<(d0, d1) -> (0, 0)>
module attributes {stable_mosaic.version = 14 : i64} {
  func.func @_sc_body(%arg0: i32, %arg1: i32, %arg2: memref<201x64xf32, #tpu.memory_space<hbm>>, %arg3: memref<1280x12800xf32, #tpu.memory_space<hbm>>, %arg4: memref<1x64xf32, #tpu.memory_space<vmem>>, %arg5: memref<4x12800xf32, #tpu.memory_space<vmem>>, %arg6: memref<!tpu.dma_semaphore, #tpu.memory_space<semaphore_mem>>) attributes {dimension_semantics = [#tpu.dimension_semantics<core_parallel>, #tpu.dimension_semantics<subcore_parallel>], iteration_bounds = array<i64: 2, 16>, scalar_prefetch = 0 : i64, scratch_operands = 3 : i64, tpu.core_type = #tpu.core_type<sc_vector_subcore>, window_params = [{transform_indices = #map}, {transform_indices = #map}]} {
    %mul3A = arith.constant 2 : i32
    %mul3A_0 = arith.muli %arg1, %mul3A : i32
    %add3A = arith.addi %mul3A_0, %arg0 : i32
    %mul3A_1 = arith.constant 40 : i32
    %mul3A_2 = arith.muli %add3A, %mul3A_1 : i32
    "tpu.region"() ({
      %run_scoped3A = tpu.sem_alloc : memref<!tpu.dma_semaphore, #tpu.memory_space<semaphore_mem>>
      %dma_start3A_125 = arith.constant 200 : i32
      %dma_start3A_126 = arith.constant 0 : i32
      %dma_start3A_127 = tpu.memref_slice %arg2[%dma_start3A_125, %dma_start3A_126] : memref<201x64xf32, #tpu.memory_space<hbm>> -> memref<1x64xf32, #tpu.memory_space<hbm>>
      %dma_start3A_128 = arith.constant 200 : i32
      %dma_start3A_129 = arith.constant 0 : i32
      %dma_start3A_130 = tpu.memref_slice %arg2[%dma_start3A_128, %dma_start3A_129] : memref<201x64xf32, #tpu.memory_space<hbm>> -> memref<1x64xf32, #tpu.memory_space<hbm>>
      tpu.enqueue_dma source(%dma_start3A_130 : memref<1x64xf32, #tpu.memory_space<hbm>>) target(%arg4 : memref<1x64xf32, #tpu.memory_space<vmem>>) target_semaphore(%run_scoped3A : memref<!tpu.dma_semaphore, #tpu.memory_space<semaphore_mem>>)
      %dma_wait3A_131 = arith.constant 200 : i32
      %dma_wait3A_132 = arith.constant 0 : i32
      %dma_wait3A_133 = tpu.memref_slice %arg2[%dma_wait3A_131, %dma_wait3A_132] : memref<201x64xf32, #tpu.memory_space<hbm>> -> memref<1x64xf32, #tpu.memory_space<hbm>>
      %dma_wait3A_134 = arith.constant 200 : i32
      %dma_wait3A_135 = arith.constant 0 : i32
      %dma_wait3A_136 = tpu.memref_slice %arg2[%dma_wait3A_134, %dma_wait3A_135] : memref<201x64xf32, #tpu.memory_space<hbm>> -> memref<1x64xf32, #tpu.memory_space<hbm>>
      tpu.wait_dma2 semaphore(%run_scoped3A : memref<!tpu.dma_semaphore, #tpu.memory_space<semaphore_mem>>) src(%dma_wait3A_136 : memref<1x64xf32, #tpu.memory_space<hbm>>) dst(%arg4 : memref<1x64xf32, #tpu.memory_space<vmem>>)
      tpu.yield
    }) : () -> ()
    %get3A = arith.constant 0 : i32
    %get3A_3 = arith.index_cast %get3A : i32 to index
    %get3A_4 = arith.constant 0 : index
    %get3A_5 = tpu.vector_load %arg4[%get3A_3, %get3A_4] {strides = array<i32>} : memref<1x64xf32, #tpu.memory_space<vmem>>, vector<1x16xf32>,
    %get3A_6 = vector.shape_cast %get3A_5 : vector<1x16xf32> to vector<16xf32>
    %get3A_7 = arith.constant 0 : i32
    %get3A_8 = arith.index_cast %get3A_7 : i32 to index
    %get3A_9 = arith.constant 16 : index
    %get3A_10 = tpu.vector_load %arg4[%get3A_8, %get3A_9] {strides = array<i32>} : memref<1x64xf32, #tpu.memory_space<vmem>>, vector<1x16xf32>,
    %get3A_11 = vector.shape_cast %get3A_10 : vector<1x16xf32> to vector<16xf32>
    %get3A_12 = arith.constant 0 : i32
    %get3A_13 = arith.index_cast %get3A_12 : i32 to index
    %get3A_14 = arith.constant 32 : index
    %get3A_15 = tpu.vector_load %arg4[%get3A_13, %get3A_14] {strides = array<i32>} : memref<1x64xf32, #tpu.memory_space<vmem>>, vector<1x16xf32>,
    %get3A_16 = vector.shape_cast %get3A_15 : vector<1x16xf32> to vector<16xf32>
    %get3A_17 = arith.constant 0 : i32
    %get3A_18 = arith.index_cast %get3A_17 : i32 to index
    %get3A_19 = arith.constant 48 : index
    %get3A_20 = tpu.vector_load %arg4[%get3A_18, %get3A_19] {strides = array<i32>} : memref<1x64xf32, #tpu.memory_space<vmem>>, vector<1x16xf32>,
    %get3A_21 = vector.shape_cast %get3A_20 : vector<1x16xf32> to vector<16xf32>
    %scan3A = arith.constant 0 : i32
    %scan3A_22 = arith.constant 0 : i32
    %scan3A_23 = arith.constant 200 : i32
    %scan3A_24 = arith.addi %scan3A_22, %scan3A_23 : i32
    %scan3A_25 = arith.constant 1 : i32
    scf.for %scan3A_125 = %scan3A_22 to %scan3A_24 step %scan3A_25  : i32 {
      %mul3A_126 = arith.constant 64 : i32
      %mul3A_127 = arith.muli %scan3A_125, %mul3A_126 : i32
      %add3A_128 = arith.constant 0 : i32
      %add3A_129 = arith.addi %mul3A_127, %add3A_128 : i32
      %swap3A = arith.constant 0 : i32
      %swap3A_130 = arith.index_cast %swap3A : i32 to index
      %swap3A_131 = arith.index_cast %add3A_129 : i32 to index
      %swap3A_132 = tpu.vector_load %arg5[%swap3A_130, %swap3A_131] {strides = array<i32>} : memref<4x12800xf32, #tpu.memory_space<vmem>>, vector<1x16xf32>,
      %swap3A_133 = vector.shape_cast %swap3A_132 : vector<1x16xf32> to vector<16xf32>
      %swap3A_134 = vector.shape_cast %get3A_6 : vector<16xf32> to vector<1x16xf32>
      tpu.vector_store %arg5[%swap3A_130, %swap3A_131], %swap3A_134 {strides = array<i32>} : memref<4x12800xf32, #tpu.memory_space<vmem>>, vector<1x16xf32>,
      %mul3A_135 = arith.constant 64 : i32
      %mul3A_136 = arith.muli %scan3A_125, %mul3A_135 : i32
      %add3A_137 = arith.constant 16 : i32
      %add3A_138 = arith.addi %mul3A_136, %add3A_137 : i32
      %swap3A_139 = arith.constant 0 : i32
      %swap3A_140 = arith.index_cast %swap3A_139 : i32 to index
      %swap3A_141 = arith.index_cast %add3A_138 : i32 to index
      %swap3A_142 = tpu.vector_load %arg5[%swap3A_140, %swap3A_141] {strides = array<i32>} : memref<4x12800xf32, #tpu.memory_space<vmem>>, vector<1x16xf32>,
      %swap3A_143 = vector.shape_cast %swap3A_142 : vector<1x16xf32> to vector<16xf32>
      %swap3A_144 = vector.shape_cast %get3A_11 : vector<16xf32> to vector<1x16xf32>
      tpu.vector_store %arg5[%swap3A_140, %swap3A_141], %swap3A_144 {strides = array<i32>} : memref<4x12800xf32, #tpu.memory_space<vmem>>, vector<1x16xf32>,
      %mul3A_145 = arith.constant 64 : i32
      %mul3A_146 = arith.muli %scan3A_125, %mul3A_145 : i32
      %add3A_147 = arith.constant 32 : i32
      %add3A_148 = arith.addi %mul3A_146, %add3A_147 : i32
      %swap3A_149 = arith.constant 0 : i32
      %swap3A_150 = arith.index_cast %swap3A_149 : i32 to index
      %swap3A_151 = arith.index_cast %add3A_148 : i32 to index
      %swap3A_152 = tpu.vector_load %arg5[%swap3A_150, %swap3A_151] {strides = array<i32>} : memref<4x12800xf32, #tpu.memory_space<vmem>>, vector<1x16xf32>,
      %swap3A_153 = vector.shape_cast %swap3A_152 : vector<1x16xf32> to vector<16xf32>
      %swap3A_154 = vector.shape_cast %get3A_16 : vector<16xf32> to vector<1x16xf32>
      tpu.vector_store %arg5[%swap3A_150, %swap3A_151], %swap3A_154 {strides = array<i32>} : memref<4x12800xf32, #tpu.memory_space<vmem>>, vector<1x16xf32>,
      %mul3A_155 = arith.constant 64 : i32
      %mul3A_156 = arith.muli %scan3A_125, %mul3A_155 : i32
      %add3A_157 = arith.constant 48 : i32
      %add3A_158 = arith.addi %mul3A_156, %add3A_157 : i32
      %swap3A_159 = arith.constant 0 : i32
      %swap3A_160 = arith.index_cast %swap3A_159 : i32 to index
      %swap3A_161 = arith.index_cast %add3A_158 : i32 to index
      %swap3A_162 = tpu.vector_load %arg5[%swap3A_160, %swap3A_161] {strides = array<i32>} : memref<4x12800xf32, #tpu.memory_space<vmem>>, vector<1x16xf32>,
      %swap3A_163 = vector.shape_cast %swap3A_162 : vector<1x16xf32> to vector<16xf32>
      %swap3A_164 = vector.shape_cast %get3A_21 : vector<16xf32> to vector<1x16xf32>
      tpu.vector_store %arg5[%swap3A_160, %swap3A_161], %swap3A_164 {strides = array<i32>} : memref<4x12800xf32, #tpu.memory_space<vmem>>, vector<1x16xf32>,
      %mul3A_165 = arith.constant 64 : i32
      %mul3A_166 = arith.muli %scan3A_125, %mul3A_165 : i32
      %add3A_167 = arith.constant 0 : i32
      %add3A_168 = arith.addi %mul3A_166, %add3A_167 : i32
      %swap3A_169 = arith.constant 1 : i32
      %swap3A_170 = arith.index_cast %swap3A_169 : i32 to index
      %swap3A_171 = arith.index_cast %add3A_168 : i32 to index
      %swap3A_172 = tpu.vector_load %arg5[%swap3A_170, %swap3A_171] {strides = array<i32>} : memref<4x12800xf32, #tpu.memory_space<vmem>>, vector<1x16xf32>,
      %swap3A_173 = vector.shape_cast %swap3A_172 : vector<1x16xf32> to vector<16xf32>
      %swap3A_174 = vector.shape_cast %get3A_6 : vector<16xf32> to vector<1x16xf32>
      tpu.vector_store %arg5[%swap3A_170, %swap3A_171], %swap3A_174 {strides = array<i32>} : memref<4x12800xf32, #tpu.memory_space<vmem>>, vector<1x16xf32>,
      %mul3A_175 = arith.constant 64 : i32
      %mul3A_176 = arith.muli %scan3A_125, %mul3A_175 : i32
      %add3A_177 = arith.constant 16 : i32
      %add3A_178 = arith.addi %mul3A_176, %add3A_177 : i32
      %swap3A_179 = arith.constant 1 : i32
      %swap3A_180 = arith.index_cast %swap3A_179 : i32 to index
      %swap3A_181 = arith.index_cast %add3A_178 : i32 to index
      %swap3A_182 = tpu.vector_load %arg5[%swap3A_180, %swap3A_181] {strides = array<i32>} : memref<4x12800xf32, #tpu.memory_space<vmem>>, vector<1x16xf32>,
      %swap3A_183 = vector.shape_cast %swap3A_182 : vector<1x16xf32> to vector<16xf32>
      %swap3A_184 = vector.shape_cast %get3A_11 : vector<16xf32> to vector<1x16xf32>
      tpu.vector_store %arg5[%swap3A_180, %swap3A_181], %swap3A_184 {strides = array<i32>} : memref<4x12800xf32, #tpu.memory_space<vmem>>, vector<1x16xf32>,
      %mul3A_185 = arith.constant 64 : i32
      %mul3A_186 = arith.muli %scan3A_125, %mul3A_185 : i32
      %add3A_187 = arith.constant 32 : i32
      %add3A_188 = arith.addi %mul3A_186, %add3A_187 : i32
      %swap3A_189 = arith.constant 1 : i32
      %swap3A_190 = arith.index_cast %swap3A_189 : i32 to index
      %swap3A_191 = arith.index_cast %add3A_188 : i32 to index
      %swap3A_192 = tpu.vector_load %arg5[%swap3A_190, %swap3A_191] {strides = array<i32>} : memref<4x12800xf32, #tpu.memory_space<vmem>>, vector<1x16xf32>,
      %swap3A_193 = vector.shape_cast %swap3A_192 : vector<1x16xf32> to vector<16xf32>
      %swap3A_194 = vector.shape_cast %get3A_16 : vector<16xf32> to vector<1x16xf32>
      tpu.vector_store %arg5[%swap3A_190, %swap3A_191], %swap3A_194 {strides = array<i32>} : memref<4x12800xf32, #tpu.memory_space<vmem>>, vector<1x16xf32>,
      %mul3A_195 = arith.constant 64 : i32
      %mul3A_196 = arith.muli %scan3A_125, %mul3A_195 : i32
      %add3A_197 = arith.constant 48 : i32
      %add3A_198 = arith.addi %mul3A_196, %add3A_197 : i32
      %swap3A_199 = arith.constant 1 : i32
      %swap3A_200 = arith.index_cast %swap3A_199 : i32 to index
      %swap3A_201 = arith.index_cast %add3A_198 : i32 to index
      %swap3A_202 = tpu.vector_load %arg5[%swap3A_200, %swap3A_201] {strides = array<i32>} : memref<4x12800xf32, #tpu.memory_space<vmem>>, vector<1x16xf32>,
      %swap3A_203 = vector.shape_cast %swap3A_202 : vector<1x16xf32> to vector<16xf32>
      %swap3A_204 = vector.shape_cast %get3A_21 : vector<16xf32> to vector<1x16xf32>
      tpu.vector_store %arg5[%swap3A_200, %swap3A_201], %swap3A_204 {strides = array<i32>} : memref<4x12800xf32, #tpu.memory_space<vmem>>, vector<1x16xf32>,
      %mul3A_205 = arith.constant 64 : i32
      %mul3A_206 = arith.muli %scan3A_125, %mul3A_205 : i32
      %add3A_207 = arith.constant 0 : i32
      %add3A_208 = arith.addi %mul3A_206, %add3A_207 : i32
      %swap3A_209 = arith.constant 2 : i32
      %swap3A_210 = arith.index_cast %swap3A_209 : i32 to index
      %swap3A_211 = arith.index_cast %add3A_208 : i32 to index
      %swap3A_212 = tpu.vector_load %arg5[%swap3A_210, %swap3A_211] {strides = array<i32>} : memref<4x12800xf32, #tpu.memory_space<vmem>>, vector<1x16xf32>,
      %swap3A_213 = vector.shape_cast %swap3A_212 : vector<1x16xf32> to vector<16xf32>
      %swap3A_214 = vector.shape_cast %get3A_6 : vector<16xf32> to vector<1x16xf32>
      tpu.vector_store %arg5[%swap3A_210, %swap3A_211], %swap3A_214 {strides = array<i32>} : memref<4x12800xf32, #tpu.memory_space<vmem>>, vector<1x16xf32>,
      %mul3A_215 = arith.constant 64 : i32
      %mul3A_216 = arith.muli %scan3A_125, %mul3A_215 : i32
      %add3A_217 = arith.constant 16 : i32
      %add3A_218 = arith.addi %mul3A_216, %add3A_217 : i32
      %swap3A_219 = arith.constant 2 : i32
      %swap3A_220 = arith.index_cast %swap3A_219 : i32 to index
      %swap3A_221 = arith.index_cast %add3A_218 : i32 to index
      %swap3A_222 = tpu.vector_load %arg5[%swap3A_220, %swap3A_221] {strides = array<i32>} : memref<4x12800xf32, #tpu.memory_space<vmem>>, vector<1x16xf32>,
      %swap3A_223 = vector.shape_cast %swap3A_222 : vector<1x16xf32> to vector<16xf32>
      %swap3A_224 = vector.shape_cast %get3A_11 : vector<16xf32> to vector<1x16xf32>
      tpu.vector_store %arg5[%swap3A_220, %swap3A_221], %swap3A_224 {strides = array<i32>} : memref<4x12800xf32, #tpu.memory_space<vmem>>, vector<1x16xf32>,
      %mul3A_225 = arith.constant 64 : i32
      %mul3A_226 = arith.muli %scan3A_125, %mul3A_225 : i32
      %add3A_227 = arith.constant 32 : i32
      %add3A_228 = arith.addi %mul3A_226, %add3A_227 : i32
      %swap3A_229 = arith.constant 2 : i32
      %swap3A_230 = arith.index_cast %swap3A_229 : i32 to index
      %swap3A_231 = arith.index_cast %add3A_228 : i32 to index
      %swap3A_232 = tpu.vector_load %arg5[%swap3A_230, %swap3A_231] {strides = array<i32>} : memref<4x12800xf32, #tpu.memory_space<vmem>>, vector<1x16xf32>,
      %swap3A_233 = vector.shape_cast %swap3A_232 : vector<1x16xf32> to vector<16xf32>
      %swap3A_234 = vector.shape_cast %get3A_16 : vector<16xf32> to vector<1x16xf32>
      tpu.vector_store %arg5[%swap3A_230, %swap3A_231], %swap3A_234 {strides = array<i32>} : memref<4x12800xf32, #tpu.memory_space<vmem>>, vector<1x16xf32>,
      %mul3A_235 = arith.constant 64 : i32
      %mul3A_236 = arith.muli %scan3A_125, %mul3A_235 : i32
      %add3A_237 = arith.constant 48 : i32
      %add3A_238 = arith.addi %mul3A_236, %add3A_237 : i32
      %swap3A_239 = arith.constant 2 : i32
      %swap3A_240 = arith.index_cast %swap3A_239 : i32 to index
      %swap3A_241 = arith.index_cast %add3A_238 : i32 to index
      %swap3A_242 = tpu.vector_load %arg5[%swap3A_240, %swap3A_241] {strides = array<i32>} : memref<4x12800xf32, #tpu.memory_space<vmem>>, vector<1x16xf32>,
      %swap3A_243 = vector.shape_cast %swap3A_242 : vector<1x16xf32> to vector<16xf32>
      %swap3A_244 = vector.shape_cast %get3A_21 : vector<16xf32> to vector<1x16xf32>
      tpu.vector_store %arg5[%swap3A_240, %swap3A_241], %swap3A_244 {strides = array<i32>} : memref<4x12800xf32, #tpu.memory_space<vmem>>, vector<1x16xf32>,
      %mul3A_245 = arith.constant 64 : i32
      %mul3A_246 = arith.muli %scan3A_125, %mul3A_245 : i32
      %add3A_247 = arith.constant 0 : i32
      %add3A_248 = arith.addi %mul3A_246, %add3A_247 : i32
      %swap3A_249 = arith.constant 3 : i32
      %swap3A_250 = arith.index_cast %swap3A_249 : i32 to index
      %swap3A_251 = arith.index_cast %add3A_248 : i32 to index
      %swap3A_252 = tpu.vector_load %arg5[%swap3A_250, %swap3A_251] {strides = array<i32>} : memref<4x12800xf32, #tpu.memory_space<vmem>>, vector<1x16xf32>,
      %swap3A_253 = vector.shape_cast %swap3A_252 : vector<1x16xf32> to vector<16xf32>
      %swap3A_254 = vector.shape_cast %get3A_6 : vector<16xf32> to vector<1x16xf32>
      tpu.vector_store %arg5[%swap3A_250, %swap3A_251], %swap3A_254 {strides = array<i32>} : memref<4x12800xf32, #tpu.memory_space<vmem>>, vector<1x16xf32>,
      %mul3A_255 = arith.constant 64 : i32
      %mul3A_256 = arith.muli %scan3A_125, %mul3A_255 : i32
      %add3A_257 = arith.constant 16 : i32
      %add3A_258 = arith.addi %mul3A_256, %add3A_257 : i32
      %swap3A_259 = arith.constant 3 : i32
      %swap3A_260 = arith.index_cast %swap3A_259 : i32 to index
      %swap3A_261 = arith.index_cast %add3A_258 : i32 to index
      %swap3A_262 = tpu.vector_load %arg5[%swap3A_260, %swap3A_261] {strides = array<i32>} : memref<4x12800xf32, #tpu.memory_space<vmem>>, vector<1x16xf32>,
      %swap3A_263 = vector.shape_cast %swap3A_262 : vector<1x16xf32> to vector<16xf32>
      %swap3A_264 = vector.shape_cast %get3A_11 : vector<16xf32> to vector<1x16xf32>
      tpu.vector_store %arg5[%swap3A_260, %swap3A_261], %swap3A_264 {strides = array<i32>} : memref<4x12800xf32, #tpu.memory_space<vmem>>, vector<1x16xf32>,
      %mul3A_265 = arith.constant 64 : i32
      %mul3A_266 = arith.muli %scan3A_125, %mul3A_265 : i32
      %add3A_267 = arith.constant 32 : i32
      %add3A_268 = arith.addi %mul3A_266, %add3A_267 : i32
      %swap3A_269 = arith.constant 3 : i32
      %swap3A_270 = arith.index_cast %swap3A_269 : i32 to index
      %swap3A_271 = arith.index_cast %add3A_268 : i32 to index
      %swap3A_272 = tpu.vector_load %arg5[%swap3A_270, %swap3A_271] {strides = array<i32>} : memref<4x12800xf32, #tpu.memory_space<vmem>>, vector<1x16xf32>,
      %swap3A_273 = vector.shape_cast %swap3A_272 : vector<1x16xf32> to vector<16xf32>
      %swap3A_274 = vector.shape_cast %get3A_16 : vector<16xf32> to vector<1x16xf32>
      tpu.vector_store %arg5[%swap3A_270, %swap3A_271], %swap3A_274 {strides = array<i32>} : memref<4x12800xf32, #tpu.memory_space<vmem>>, vector<1x16xf32>,
      %mul3A_275 = arith.constant 64 : i32
      %mul3A_276 = arith.muli %scan3A_125, %mul3A_275 : i32
      %add3A_277 = arith.constant 48 : i32
      %add3A_278 = arith.addi %mul3A_276, %add3A_277 : i32
      %swap3A_279 = arith.constant 3 : i32
      %swap3A_280 = arith.index_cast %swap3A_279 : i32 to index
      %swap3A_281 = arith.index_cast %add3A_278 : i32 to index
      %swap3A_282 = tpu.vector_load %arg5[%swap3A_280, %swap3A_281] {strides = array<i32>} : memref<4x12800xf32, #tpu.memory_space<vmem>>, vector<1x16xf32>,
      %swap3A_283 = vector.shape_cast %swap3A_282 : vector<1x16xf32> to vector<16xf32>
      %swap3A_284 = vector.shape_cast %get3A_21 : vector<16xf32> to vector<1x16xf32>
      tpu.vector_store %arg5[%swap3A_280, %swap3A_281], %swap3A_284 {strides = array<i32>} : memref<4x12800xf32, #tpu.memory_space<vmem>>, vector<1x16xf32>,
    }
    %scan3A_26 = arith.constant 200 : i32
    %add3A_27 = arith.constant 0 : i32
    %add3A_28 = arith.addi %mul3A_2, %add3A_27 : i32
    %dma_start3A = arith.constant 0 : i32
    %dma_start3A_29 = tpu.memref_slice %arg3[%add3A_28, %dma_start3A] : memref<1280x12800xf32, #tpu.memory_space<hbm>> -> memref<4x12800xf32, #tpu.memory_space<hbm>>
    %dma_start3A_30 = arith.constant 0 : i32
    %dma_start3A_31 = tpu.memref_slice %arg3[%add3A_28, %dma_start3A_30] : memref<1280x12800xf32, #tpu.memory_space<hbm>> -> memref<4x12800xf32, #tpu.memory_space<hbm>>
    tpu.enqueue_dma source(%arg5 : memref<4x12800xf32, #tpu.memory_space<vmem>>) target(%dma_start3A_31 : memref<4x12800xf32, #tpu.memory_space<hbm>>) target_semaphore(%arg6 : memref<!tpu.dma_semaphore, #tpu.memory_space<semaphore_mem>>)
    %add3A_32 = arith.constant 4 : i32
    %add3A_33 = arith.addi %mul3A_2, %add3A_32 : i32
    %dma_start3A_34 = arith.constant 0 : i32
    %dma_start3A_35 = tpu.memref_slice %arg3[%add3A_33, %dma_start3A_34] : memref<1280x12800xf32, #tpu.memory_space<hbm>> -> memref<4x12800xf32, #tpu.memory_space<hbm>>
    %dma_start3A_36 = arith.constant 0 : i32
    %dma_start3A_37 = tpu.memref_slice %arg3[%add3A_33, %dma_start3A_36] : memref<1280x12800xf32, #tpu.memory_space<hbm>> -> memref<4x12800xf32, #tpu.memory_space<hbm>>
    tpu.enqueue_dma source(%arg5 : memref<4x12800xf32, #tpu.memory_space<vmem>>) target(%dma_start3A_37 : memref<4x12800xf32, #tpu.memory_space<hbm>>) target_semaphore(%arg6 : memref<!tpu.dma_semaphore, #tpu.memory_space<semaphore_mem>>)
    %add3A_38 = arith.constant 8 : i32
    %add3A_39 = arith.addi %mul3A_2, %add3A_38 : i32
    %dma_start3A_40 = arith.constant 0 : i32
    %dma_start3A_41 = tpu.memref_slice %arg3[%add3A_39, %dma_start3A_40] : memref<1280x12800xf32, #tpu.memory_space<hbm>> -> memref<4x12800xf32, #tpu.memory_space<hbm>>
    %dma_start3A_42 = arith.constant 0 : i32
    %dma_start3A_43 = tpu.memref_slice %arg3[%add3A_39, %dma_start3A_42] : memref<1280x12800xf32, #tpu.memory_space<hbm>> -> memref<4x12800xf32, #tpu.memory_space<hbm>>
    tpu.enqueue_dma source(%arg5 : memref<4x12800xf32, #tpu.memory_space<vmem>>) target(%dma_start3A_43 : memref<4x12800xf32, #tpu.memory_space<hbm>>) target_semaphore(%arg6 : memref<!tpu.dma_semaphore, #tpu.memory_space<semaphore_mem>>)
    %add3A_44 = arith.constant 12 : i32
    %add3A_45 = arith.addi %mul3A_2, %add3A_44 : i32
    %dma_start3A_46 = arith.constant 0 : i32
    %dma_start3A_47 = tpu.memref_slice %arg3[%add3A_45, %dma_start3A_46] : memref<1280x12800xf32, #tpu.memory_space<hbm>> -> memref<4x12800xf32, #tpu.memory_space<hbm>>
    %dma_start3A_48 = arith.constant 0 : i32
    %dma_start3A_49 = tpu.memref_slice %arg3[%add3A_45, %dma_start3A_48] : memref<1280x12800xf32, #tpu.memory_space<hbm>> -> memref<4x12800xf32, #tpu.memory_space<hbm>>
    tpu.enqueue_dma source(%arg5 : memref<4x12800xf32, #tpu.memory_space<vmem>>) target(%dma_start3A_49 : memref<4x12800xf32, #tpu.memory_space<hbm>>) target_semaphore(%arg6 : memref<!tpu.dma_semaphore, #tpu.memory_space<semaphore_mem>>)
    %add3A_50 = arith.constant 16 : i32
    %add3A_51 = arith.addi %mul3A_2, %add3A_50 : i32
    %dma_start3A_52 = arith.constant 0 : i32
    %dma_start3A_53 = tpu.memref_slice %arg3[%add3A_51, %dma_start3A_52] : memref<1280x12800xf32, #tpu.memory_space<hbm>> -> memref<4x12800xf32, #tpu.memory_space<hbm>>
    %dma_start3A_54 = arith.constant 0 : i32
    %dma_start3A_55 = tpu.memref_slice %arg3[%add3A_51, %dma_start3A_54] : memref<1280x12800xf32, #tpu.memory_space<hbm>> -> memref<4x12800xf32, #tpu.memory_space<hbm>>
    tpu.enqueue_dma source(%arg5 : memref<4x12800xf32, #tpu.memory_space<vmem>>) target(%dma_start3A_55 : memref<4x12800xf32, #tpu.memory_space<hbm>>) target_semaphore(%arg6 : memref<!tpu.dma_semaphore, #tpu.memory_space<semaphore_mem>>)
    %add3A_56 = arith.constant 20 : i32
    %add3A_57 = arith.addi %mul3A_2, %add3A_56 : i32
    %dma_start3A_58 = arith.constant 0 : i32
    %dma_start3A_59 = tpu.memref_slice %arg3[%add3A_57, %dma_start3A_58] : memref<1280x12800xf32, #tpu.memory_space<hbm>> -> memref<4x12800xf32, #tpu.memory_space<hbm>>
    %dma_start3A_60 = arith.constant 0 : i32
    %dma_start3A_61 = tpu.memref_slice %arg3[%add3A_57, %dma_start3A_60] : memref<1280x12800xf32, #tpu.memory_space<hbm>> -> memref<4x12800xf32, #tpu.memory_space<hbm>>
    tpu.enqueue_dma source(%arg5 : memref<4x12800xf32, #tpu.memory_space<vmem>>) target(%dma_start3A_61 : memref<4x12800xf32, #tpu.memory_space<hbm>>) target_semaphore(%arg6 : memref<!tpu.dma_semaphore, #tpu.memory_space<semaphore_mem>>)
    %add3A_62 = arith.constant 24 : i32
    %add3A_63 = arith.addi %mul3A_2, %add3A_62 : i32
    %dma_start3A_64 = arith.constant 0 : i32
    %dma_start3A_65 = tpu.memref_slice %arg3[%add3A_63, %dma_start3A_64] : memref<1280x12800xf32, #tpu.memory_space<hbm>> -> memref<4x12800xf32, #tpu.memory_space<hbm>>
    %dma_start3A_66 = arith.constant 0 : i32
    %dma_start3A_67 = tpu.memref_slice %arg3[%add3A_63, %dma_start3A_66] : memref<1280x12800xf32, #tpu.memory_space<hbm>> -> memref<4x12800xf32, #tpu.memory_space<hbm>>
    tpu.enqueue_dma source(%arg5 : memref<4x12800xf32, #tpu.memory_space<vmem>>) target(%dma_start3A_67 : memref<4x12800xf32, #tpu.memory_space<hbm>>) target_semaphore(%arg6 : memref<!tpu.dma_semaphore, #tpu.memory_space<semaphore_mem>>)
    %add3A_68 = arith.constant 28 : i32
    %add3A_69 = arith.addi %mul3A_2, %add3A_68 : i32
    %dma_start3A_70 = arith.constant 0 : i32
    %dma_start3A_71 = tpu.memref_slice %arg3[%add3A_69, %dma_start3A_70] : memref<1280x12800xf32, #tpu.memory_space<hbm>> -> memref<4x12800xf32, #tpu.memory_space<hbm>>
    %dma_start3A_72 = arith.constant 0 : i32
    %dma_start3A_73 = tpu.memref_slice %arg3[%add3A_69, %dma_start3A_72] : memref<1280x12800xf32, #tpu.memory_space<hbm>> -> memref<4x12800xf32, #tpu.memory_space<hbm>>
    tpu.enqueue_dma source(%arg5 : memref<4x12800xf32, #tpu.memory_space<vmem>>) target(%dma_start3A_73 : memref<4x12800xf32, #tpu.memory_space<hbm>>) target_semaphore(%arg6 : memref<!tpu.dma_semaphore, #tpu.memory_space<semaphore_mem>>)
    %add3A_74 = arith.constant 32 : i32
    %add3A_75 = arith.addi %mul3A_2, %add3A_74 : i32
    %dma_start3A_76 = arith.constant 0 : i32
    %dma_start3A_77 = tpu.memref_slice %arg3[%add3A_75, %dma_start3A_76] : memref<1280x12800xf32, #tpu.memory_space<hbm>> -> memref<4x12800xf32, #tpu.memory_space<hbm>>
    %dma_start3A_78 = arith.constant 0 : i32
    %dma_start3A_79 = tpu.memref_slice %arg3[%add3A_75, %dma_start3A_78] : memref<1280x12800xf32, #tpu.memory_space<hbm>> -> memref<4x12800xf32, #tpu.memory_space<hbm>>
    tpu.enqueue_dma source(%arg5 : memref<4x12800xf32, #tpu.memory_space<vmem>>) target(%dma_start3A_79 : memref<4x12800xf32, #tpu.memory_space<hbm>>) target_semaphore(%arg6 : memref<!tpu.dma_semaphore, #tpu.memory_space<semaphore_mem>>)
    %add3A_80 = arith.constant 36 : i32
    %add3A_81 = arith.addi %mul3A_2, %add3A_80 : i32
    %dma_start3A_82 = arith.constant 0 : i32
    %dma_start3A_83 = tpu.memref_slice %arg3[%add3A_81, %dma_start3A_82] : memref<1280x12800xf32, #tpu.memory_space<hbm>> -> memref<4x12800xf32, #tpu.memory_space<hbm>>
    %dma_start3A_84 = arith.constant 0 : i32
    %dma_start3A_85 = tpu.memref_slice %arg3[%add3A_81, %dma_start3A_84] : memref<1280x12800xf32, #tpu.memory_space<hbm>> -> memref<4x12800xf32, #tpu.memory_space<hbm>>
    tpu.enqueue_dma source(%arg5 : memref<4x12800xf32, #tpu.memory_space<vmem>>) target(%dma_start3A_85 : memref<4x12800xf32, #tpu.memory_space<hbm>>) target_semaphore(%arg6 : memref<!tpu.dma_semaphore, #tpu.memory_space<semaphore_mem>>)
    %dma_wait3A = arith.constant 0 : i32
    %dma_wait3A_86 = tpu.memref_slice %arg3[%add3A_28, %dma_wait3A] : memref<1280x12800xf32, #tpu.memory_space<hbm>> -> memref<4x12800xf32, #tpu.memory_space<hbm>>
    %dma_wait3A_87 = arith.constant 0 : i32
    %dma_wait3A_88 = tpu.memref_slice %arg3[%add3A_28, %dma_wait3A_87] : memref<1280x12800xf32, #tpu.memory_space<hbm>> -> memref<4x12800xf32, #tpu.memory_space<hbm>>
    tpu.wait_dma2 semaphore(%arg6 : memref<!tpu.dma_semaphore, #tpu.memory_space<semaphore_mem>>) src(%arg5 : memref<4x12800xf32, #tpu.memory_space<vmem>>) dst(%dma_wait3A_88 : memref<4x12800xf32, #tpu.memory_space<hbm>>)
    %dma_wait3A_89 = arith.constant 0 : i32
    %dma_wait3A_90 = tpu.memref_slice %arg3[%add3A_33, %dma_wait3A_89] : memref<1280x12800xf32, #tpu.memory_space<hbm>> -> memref<4x12800xf32, #tpu.memory_space<hbm>>
    %dma_wait3A_91 = arith.constant 0 : i32
    %dma_wait3A_92 = tpu.memref_slice %arg3[%add3A_33, %dma_wait3A_91] : memref<1280x12800xf32, #tpu.memory_space<hbm>> -> memref<4x12800xf32, #tpu.memory_space<hbm>>
    tpu.wait_dma2 semaphore(%arg6 : memref<!tpu.dma_semaphore, #tpu.memory_space<semaphore_mem>>) src(%arg5 : memref<4x12800xf32, #tpu.memory_space<vmem>>) dst(%dma_wait3A_92 : memref<4x12800xf32, #tpu.memory_space<hbm>>)
    %dma_wait3A_93 = arith.constant 0 : i32
    %dma_wait3A_94 = tpu.memref_slice %arg3[%add3A_39, %dma_wait3A_93] : memref<1280x12800xf32, #tpu.memory_space<hbm>> -> memref<4x12800xf32, #tpu.memory_space<hbm>>
    %dma_wait3A_95 = arith.constant 0 : i32
    %dma_wait3A_96 = tpu.memref_slice %arg3[%add3A_39, %dma_wait3A_95] : memref<1280x12800xf32, #tpu.memory_space<hbm>> -> memref<4x12800xf32, #tpu.memory_space<hbm>>
    tpu.wait_dma2 semaphore(%arg6 : memref<!tpu.dma_semaphore, #tpu.memory_space<semaphore_mem>>) src(%arg5 : memref<4x12800xf32, #tpu.memory_space<vmem>>) dst(%dma_wait3A_96 : memref<4x12800xf32, #tpu.memory_space<hbm>>)
    %dma_wait3A_97 = arith.constant 0 : i32
    %dma_wait3A_98 = tpu.memref_slice %arg3[%add3A_45, %dma_wait3A_97] : memref<1280x12800xf32, #tpu.memory_space<hbm>> -> memref<4x12800xf32, #tpu.memory_space<hbm>>
    %dma_wait3A_99 = arith.constant 0 : i32
    %dma_wait3A_100 = tpu.memref_slice %arg3[%add3A_45, %dma_wait3A_99] : memref<1280x12800xf32, #tpu.memory_space<hbm>> -> memref<4x12800xf32, #tpu.memory_space<hbm>>
    tpu.wait_dma2 semaphore(%arg6 : memref<!tpu.dma_semaphore, #tpu.memory_space<semaphore_mem>>) src(%arg5 : memref<4x12800xf32, #tpu.memory_space<vmem>>) dst(%dma_wait3A_100 : memref<4x12800xf32, #tpu.memory_space<hbm>>)
    %dma_wait3A_101 = arith.constant 0 : i32
    %dma_wait3A_102 = tpu.memref_slice %arg3[%add3A_51, %dma_wait3A_101] : memref<1280x12800xf32, #tpu.memory_space<hbm>> -> memref<4x12800xf32, #tpu.memory_space<hbm>>
    %dma_wait3A_103 = arith.constant 0 : i32
    %dma_wait3A_104 = tpu.memref_slice %arg3[%add3A_51, %dma_wait3A_103] : memref<1280x12800xf32, #tpu.memory_space<hbm>> -> memref<4x12800xf32, #tpu.memory_space<hbm>>
    tpu.wait_dma2 semaphore(%arg6 : memref<!tpu.dma_semaphore, #tpu.memory_space<semaphore_mem>>) src(%arg5 : memref<4x12800xf32, #tpu.memory_space<vmem>>) dst(%dma_wait3A_104 : memref<4x12800xf32, #tpu.memory_space<hbm>>)
    %dma_wait3A_105 = arith.constant 0 : i32
    %dma_wait3A_106 = tpu.memref_slice %arg3[%add3A_57, %dma_wait3A_105] : memref<1280x12800xf32, #tpu.memory_space<hbm>> -> memref<4x12800xf32, #tpu.memory_space<hbm>>
    %dma_wait3A_107 = arith.constant 0 : i32
    %dma_wait3A_108 = tpu.memref_slice %arg3[%add3A_57, %dma_wait3A_107] : memref<1280x12800xf32, #tpu.memory_space<hbm>> -> memref<4x12800xf32, #tpu.memory_space<hbm>>
    tpu.wait_dma2 semaphore(%arg6 : memref<!tpu.dma_semaphore, #tpu.memory_space<semaphore_mem>>) src(%arg5 : memref<4x12800xf32, #tpu.memory_space<vmem>>) dst(%dma_wait3A_108 : memref<4x12800xf32, #tpu.memory_space<hbm>>)
    %dma_wait3A_109 = arith.constant 0 : i32
    %dma_wait3A_110 = tpu.memref_slice %arg3[%add3A_63, %dma_wait3A_109] : memref<1280x12800xf32, #tpu.memory_space<hbm>> -> memref<4x12800xf32, #tpu.memory_space<hbm>>
    %dma_wait3A_111 = arith.constant 0 : i32
    %dma_wait3A_112 = tpu.memref_slice %arg3[%add3A_63, %dma_wait3A_111] : memref<1280x12800xf32, #tpu.memory_space<hbm>> -> memref<4x12800xf32, #tpu.memory_space<hbm>>
    tpu.wait_dma2 semaphore(%arg6 : memref<!tpu.dma_semaphore, #tpu.memory_space<semaphore_mem>>) src(%arg5 : memref<4x12800xf32, #tpu.memory_space<vmem>>) dst(%dma_wait3A_112 : memref<4x12800xf32, #tpu.memory_space<hbm>>)
    %dma_wait3A_113 = arith.constant 0 : i32
    %dma_wait3A_114 = tpu.memref_slice %arg3[%add3A_69, %dma_wait3A_113] : memref<1280x12800xf32, #tpu.memory_space<hbm>> -> memref<4x12800xf32, #tpu.memory_space<hbm>>
    %dma_wait3A_115 = arith.constant 0 : i32
    %dma_wait3A_116 = tpu.memref_slice %arg3[%add3A_69, %dma_wait3A_115] : memref<1280x12800xf32, #tpu.memory_space<hbm>> -> memref<4x12800xf32, #tpu.memory_space<hbm>>
    tpu.wait_dma2 semaphore(%arg6 : memref<!tpu.dma_semaphore, #tpu.memory_space<semaphore_mem>>) src(%arg5 : memref<4x12800xf32, #tpu.memory_space<vmem>>) dst(%dma_wait3A_116 : memref<4x12800xf32, #tpu.memory_space<hbm>>)
    %dma_wait3A_117 = arith.constant 0 : i32
    %dma_wait3A_118 = tpu.memref_slice %arg3[%add3A_75, %dma_wait3A_117] : memref<1280x12800xf32, #tpu.memory_space<hbm>> -> memref<4x12800xf32, #tpu.memory_space<hbm>>
    %dma_wait3A_119 = arith.constant 0 : i32
    %dma_wait3A_120 = tpu.memref_slice %arg3[%add3A_75, %dma_wait3A_119] : memref<1280x12800xf32, #tpu.memory_space<hbm>> -> memref<4x12800xf32, #tpu.memory_space<hbm>>
    tpu.wait_dma2 semaphore(%arg6 : memref<!tpu.dma_semaphore, #tpu.memory_space<semaphore_mem>>) src(%arg5 : memref<4x12800xf32, #tpu.memory_space<vmem>>) dst(%dma_wait3A_120 : memref<4x12800xf32, #tpu.memory_space<hbm>>)
    %dma_wait3A_121 = arith.constant 0 : i32
    %dma_wait3A_122 = tpu.memref_slice %arg3[%add3A_81, %dma_wait3A_121] : memref<1280x12800xf32, #tpu.memory_space<hbm>> -> memref<4x12800xf32, #tpu.memory_space<hbm>>
    %dma_wait3A_123 = arith.constant 0 : i32
    %dma_wait3A_124 = tpu.memref_slice %arg3[%add3A_81, %dma_wait3A_123] : memref<1280x12800xf32, #tpu.memory_space<hbm>> -> memref<4x12800xf32, #tpu.memory_space<hbm>>
    tpu.wait_dma2 semaphore(%arg6 : memref<!tpu.dma_semaphore, #tpu.memory_space<semaphore_mem>>) src(%arg5 : memref<4x12800xf32, #tpu.memory_space<vmem>>) dst(%dma_wait3A_124 : memref<4x12800xf32, #tpu.memory_space<hbm>>)
    return
  }
}

module attributes {stable_mosaic.version = 14 : i64} {
  func.func @_tc_kernel(%arg0: memref<201x64xf32, #tpu.memory_space<vmem>>, %arg1: memref<2816x12800xf32, #tpu.memory_space<hbm>>, %arg2: memref<1x12800xf32, #tpu.memory_space<vmem>>, %arg3: memref<256x12800xf32, #tpu.memory_space<vmem>>, %arg4: memref<11x!tpu.dma_semaphore, #tpu.memory_space<semaphore_mem>>) attributes {dimension_semantics = [], scalar_prefetch = 0 : i64, scratch_operands = 3 : i64, tpu.core_type = #tpu.core_type<tc>} {
    %get3A = arith.constant 200 : index
    %get3A_0 = arith.constant 0 : index
    %get3A_1 = vector.load %arg0[%get3A, %get3A_0] : memref<201x64xf32, #tpu.memory_space<vmem>>, vector<1x64xf32>
    %get3A_2 = vector.shape_cast %get3A_1 : vector<1x64xf32> to vector<64xf32>
    %broadcast_in_dim3A = vector.shape_cast %get3A_2 : vector<64xf32> to vector<1x64xf32>
    %swap3A = arith.constant 0 : index
    %swap3A_3 = arith.constant 0 : index
    %swap3A_4 = vector.load %arg2[%swap3A, %swap3A_3] : memref<1x12800xf32, #tpu.memory_space<vmem>>, vector<1x64xf32>
    tpu.vector_store %arg2[%swap3A, %swap3A_3], %broadcast_in_dim3A {strides = array<i32>} : memref<1x12800xf32, #tpu.memory_space<vmem>>, vector<1x64xf32>,
    %broadcast_in_dim3A_5 = vector.shape_cast %get3A_2 : vector<64xf32> to vector<1x64xf32>
    %swap3A_6 = arith.constant 0 : index
    %swap3A_7 = arith.constant 64 : index
    %swap3A_8 = vector.load %arg2[%swap3A_6, %swap3A_7] : memref<1x12800xf32, #tpu.memory_space<vmem>>, vector<1x64xf32>
    tpu.vector_store %arg2[%swap3A_6, %swap3A_7], %broadcast_in_dim3A_5 {strides = array<i32>} : memref<1x12800xf32, #tpu.memory_space<vmem>>, vector<1x64xf32>,
    %broadcast_in_dim3A_9 = vector.shape_cast %get3A_2 : vector<64xf32> to vector<1x64xf32>
    %swap3A_10 = arith.constant 0 : index
    %swap3A_11 = arith.constant 128 : index
    %swap3A_12 = vector.load %arg2[%swap3A_10, %swap3A_11] : memref<1x12800xf32, #tpu.memory_space<vmem>>, vector<1x64xf32>
    tpu.vector_store %arg2[%swap3A_10, %swap3A_11], %broadcast_in_dim3A_9 {strides = array<i32>} : memref<1x12800xf32, #tpu.memory_space<vmem>>, vector<1x64xf32>,
    %broadcast_in_dim3A_13 = vector.shape_cast %get3A_2 : vector<64xf32> to vector<1x64xf32>
    %swap3A_14 = arith.constant 0 : index
    %swap3A_15 = arith.constant 192 : index
    %swap3A_16 = vector.load %arg2[%swap3A_14, %swap3A_15] : memref<1x12800xf32, #tpu.memory_space<vmem>>, vector<1x64xf32>
    tpu.vector_store %arg2[%swap3A_14, %swap3A_15], %broadcast_in_dim3A_13 {strides = array<i32>} : memref<1x12800xf32, #tpu.memory_space<vmem>>, vector<1x64xf32>,
    %broadcast_in_dim3A_17 = vector.shape_cast %get3A_2 : vector<64xf32> to vector<1x64xf32>
    %swap3A_18 = arith.constant 0 : index
    %swap3A_19 = arith.constant 256 : index
    %swap3A_20 = vector.load %arg2[%swap3A_18, %swap3A_19] : memref<1x12800xf32, #tpu.memory_space<vmem>>, vector<1x64xf32>
    tpu.vector_store %arg2[%swap3A_18, %swap3A_19], %broadcast_in_dim3A_17 {strides = array<i32>} : memref<1x12800xf32, #tpu.memory_space<vmem>>, vector<1x64xf32>,
    %broadcast_in_dim3A_21 = vector.shape_cast %get3A_2 : vector<64xf32> to vector<1x64xf32>
    %swap3A_22 = arith.constant 0 : index
    %swap3A_23 = arith.constant 320 : index
    %swap3A_24 = vector.load %arg2[%swap3A_22, %swap3A_23] : memref<1x12800xf32, #tpu.memory_space<vmem>>, vector<1x64xf32>
    tpu.vector_store %arg2[%swap3A_22, %swap3A_23], %broadcast_in_dim3A_21 {strides = array<i32>} : memref<1x12800xf32, #tpu.memory_space<vmem>>, vector<1x64xf32>,
    %broadcast_in_dim3A_25 = vector.shape_cast %get3A_2 : vector<64xf32> to vector<1x64xf32>
    %swap3A_26 = arith.constant 0 : index
    %swap3A_27 = arith.constant 384 : index
    %swap3A_28 = vector.load %arg2[%swap3A_26, %swap3A_27] : memref<1x12800xf32, #tpu.memory_space<vmem>>, vector<1x64xf32>
    tpu.vector_store %arg2[%swap3A_26, %swap3A_27], %broadcast_in_dim3A_25 {strides = array<i32>} : memref<1x12800xf32, #tpu.memory_space<vmem>>, vector<1x64xf32>,
    %broadcast_in_dim3A_29 = vector.shape_cast %get3A_2 : vector<64xf32> to vector<1x64xf32>
    %swap3A_30 = arith.constant 0 : index
    %swap3A_31 = arith.constant 448 : index
    %swap3A_32 = vector.load %arg2[%swap3A_30, %swap3A_31] : memref<1x12800xf32, #tpu.memory_space<vmem>>, vector<1x64xf32>
    tpu.vector_store %arg2[%swap3A_30, %swap3A_31], %broadcast_in_dim3A_29 {strides = array<i32>} : memref<1x12800xf32, #tpu.memory_space<vmem>>, vector<1x64xf32>,
    %broadcast_in_dim3A_33 = vector.shape_cast %get3A_2 : vector<64xf32> to vector<1x64xf32>
    %swap3A_34 = arith.constant 0 : index
    %swap3A_35 = arith.constant 512 : index
    %swap3A_36 = vector.load %arg2[%swap3A_34, %swap3A_35] : memref<1x12800xf32, #tpu.memory_space<vmem>>, vector<1x64xf32>
    tpu.vector_store %arg2[%swap3A_34, %swap3A_35], %broadcast_in_dim3A_33 {strides = array<i32>} : memref<1x12800xf32, #tpu.memory_space<vmem>>, vector<1x64xf32>,
    %broadcast_in_dim3A_37 = vector.shape_cast %get3A_2 : vector<64xf32> to vector<1x64xf32>
    %swap3A_38 = arith.constant 0 : index
    %swap3A_39 = arith.constant 576 : index
    %swap3A_40 = vector.load %arg2[%swap3A_38, %swap3A_39] : memref<1x12800xf32, #tpu.memory_space<vmem>>, vector<1x64xf32>
    tpu.vector_store %arg2[%swap3A_38, %swap3A_39], %broadcast_in_dim3A_37 {strides = array<i32>} : memref<1x12800xf32, #tpu.memory_space<vmem>>, vector<1x64xf32>,
    %broadcast_in_dim3A_41 = vector.shape_cast %get3A_2 : vector<64xf32> to vector<1x64xf32>
    %swap3A_42 = arith.constant 0 : index
    %swap3A_43 = arith.constant 640 : index
    %swap3A_44 = vector.load %arg2[%swap3A_42, %swap3A_43] : memref<1x12800xf32, #tpu.memory_space<vmem>>, vector<1x64xf32>
    tpu.vector_store %arg2[%swap3A_42, %swap3A_43], %broadcast_in_dim3A_41 {strides = array<i32>} : memref<1x12800xf32, #tpu.memory_space<vmem>>, vector<1x64xf32>,
    %broadcast_in_dim3A_45 = vector.shape_cast %get3A_2 : vector<64xf32> to vector<1x64xf32>
    %swap3A_46 = arith.constant 0 : index
    %swap3A_47 = arith.constant 704 : index
    %swap3A_48 = vector.load %arg2[%swap3A_46, %swap3A_47] : memref<1x12800xf32, #tpu.memory_space<vmem>>, vector<1x64xf32>
    tpu.vector_store %arg2[%swap3A_46, %swap3A_47], %broadcast_in_dim3A_45 {strides = array<i32>} : memref<1x12800xf32, #tpu.memory_space<vmem>>, vector<1x64xf32>,
    %broadcast_in_dim3A_49 = vector.shape_cast %get3A_2 : vector<64xf32> to vector<1x64xf32>
    %swap3A_50 = arith.constant 0 : index
    %swap3A_51 = arith.constant 768 : index
    %swap3A_52 = vector.load %arg2[%swap3A_50, %swap3A_51] : memref<1x12800xf32, #tpu.memory_space<vmem>>, vector<1x64xf32>
    tpu.vector_store %arg2[%swap3A_50, %swap3A_51], %broadcast_in_dim3A_49 {strides = array<i32>} : memref<1x12800xf32, #tpu.memory_space<vmem>>, vector<1x64xf32>,
    %broadcast_in_dim3A_53 = vector.shape_cast %get3A_2 : vector<64xf32> to vector<1x64xf32>
    %swap3A_54 = arith.constant 0 : index
    %swap3A_55 = arith.constant 832 : index
    %swap3A_56 = vector.load %arg2[%swap3A_54, %swap3A_55] : memref<1x12800xf32, #tpu.memory_space<vmem>>, vector<1x64xf32>
    tpu.vector_store %arg2[%swap3A_54, %swap3A_55], %broadcast_in_dim3A_53 {strides = array<i32>} : memref<1x12800xf32, #tpu.memory_space<vmem>>, vector<1x64xf32>,
    %broadcast_in_dim3A_57 = vector.shape_cast %get3A_2 : vector<64xf32> to vector<1x64xf32>
    %swap3A_58 = arith.constant 0 : index
    %swap3A_59 = arith.constant 896 : index
    %swap3A_60 = vector.load %arg2[%swap3A_58, %swap3A_59] : memref<1x12800xf32, #tpu.memory_space<vmem>>, vector<1x64xf32>
    tpu.vector_store %arg2[%swap3A_58, %swap3A_59], %broadcast_in_dim3A_57 {strides = array<i32>} : memref<1x12800xf32, #tpu.memory_space<vmem>>, vector<1x64xf32>,
    %broadcast_in_dim3A_61 = vector.shape_cast %get3A_2 : vector<64xf32> to vector<1x64xf32>
    %swap3A_62 = arith.constant 0 : index
    %swap3A_63 = arith.constant 960 : index
    %swap3A_64 = vector.load %arg2[%swap3A_62, %swap3A_63] : memref<1x12800xf32, #tpu.memory_space<vmem>>, vector<1x64xf32>
    tpu.vector_store %arg2[%swap3A_62, %swap3A_63], %broadcast_in_dim3A_61 {strides = array<i32>} : memref<1x12800xf32, #tpu.memory_space<vmem>>, vector<1x64xf32>,
    %broadcast_in_dim3A_65 = vector.shape_cast %get3A_2 : vector<64xf32> to vector<1x64xf32>
    %swap3A_66 = arith.constant 0 : index
    %swap3A_67 = arith.constant 1024 : index
    %swap3A_68 = vector.load %arg2[%swap3A_66, %swap3A_67] : memref<1x12800xf32, #tpu.memory_space<vmem>>, vector<1x64xf32>
    tpu.vector_store %arg2[%swap3A_66, %swap3A_67], %broadcast_in_dim3A_65 {strides = array<i32>} : memref<1x12800xf32, #tpu.memory_space<vmem>>, vector<1x64xf32>,
    %broadcast_in_dim3A_69 = vector.shape_cast %get3A_2 : vector<64xf32> to vector<1x64xf32>
    %swap3A_70 = arith.constant 0 : index
    %swap3A_71 = arith.constant 1088 : index
    %swap3A_72 = vector.load %arg2[%swap3A_70, %swap3A_71] : memref<1x12800xf32, #tpu.memory_space<vmem>>, vector<1x64xf32>
    tpu.vector_store %arg2[%swap3A_70, %swap3A_71], %broadcast_in_dim3A_69 {strides = array<i32>} : memref<1x12800xf32, #tpu.memory_space<vmem>>, vector<1x64xf32>,
    %broadcast_in_dim3A_73 = vector.shape_cast %get3A_2 : vector<64xf32> to vector<1x64xf32>
    %swap3A_74 = arith.constant 0 : index
    %swap3A_75 = arith.constant 1152 : index
    %swap3A_76 = vector.load %arg2[%swap3A_74, %swap3A_75] : memref<1x12800xf32, #tpu.memory_space<vmem>>, vector<1x64xf32>
    tpu.vector_store %arg2[%swap3A_74, %swap3A_75], %broadcast_in_dim3A_73 {strides = array<i32>} : memref<1x12800xf32, #tpu.memory_space<vmem>>, vector<1x64xf32>,
    %broadcast_in_dim3A_77 = vector.shape_cast %get3A_2 : vector<64xf32> to vector<1x64xf32>
    %swap3A_78 = arith.constant 0 : index
    %swap3A_79 = arith.constant 1216 : index
    %swap3A_80 = vector.load %arg2[%swap3A_78, %swap3A_79] : memref<1x12800xf32, #tpu.memory_space<vmem>>, vector<1x64xf32>
    tpu.vector_store %arg2[%swap3A_78, %swap3A_79], %broadcast_in_dim3A_77 {strides = array<i32>} : memref<1x12800xf32, #tpu.memory_space<vmem>>, vector<1x64xf32>,
    %broadcast_in_dim3A_81 = vector.shape_cast %get3A_2 : vector<64xf32> to vector<1x64xf32>
    %swap3A_82 = arith.constant 0 : index
    %swap3A_83 = arith.constant 1280 : index
    %swap3A_84 = vector.load %arg2[%swap3A_82, %swap3A_83] : memref<1x12800xf32, #tpu.memory_space<vmem>>, vector<1x64xf32>
    tpu.vector_store %arg2[%swap3A_82, %swap3A_83], %broadcast_in_dim3A_81 {strides = array<i32>} : memref<1x12800xf32, #tpu.memory_space<vmem>>, vector<1x64xf32>,
    %broadcast_in_dim3A_85 = vector.shape_cast %get3A_2 : vector<64xf32> to vector<1x64xf32>
    %swap3A_86 = arith.constant 0 : index
    %swap3A_87 = arith.constant 1344 : index
    %swap3A_88 = vector.load %arg2[%swap3A_86, %swap3A_87] : memref<1x12800xf32, #tpu.memory_space<vmem>>, vector<1x64xf32>
    tpu.vector_store %arg2[%swap3A_86, %swap3A_87], %broadcast_in_dim3A_85 {strides = array<i32>} : memref<1x12800xf32, #tpu.memory_space<vmem>>, vector<1x64xf32>,
    %broadcast_in_dim3A_89 = vector.shape_cast %get3A_2 : vector<64xf32> to vector<1x64xf32>
    %swap3A_90 = arith.constant 0 : index
    %swap3A_91 = arith.constant 1408 : index
    %swap3A_92 = vector.load %arg2[%swap3A_90, %swap3A_91] : memref<1x12800xf32, #tpu.memory_space<vmem>>, vector<1x64xf32>
    tpu.vector_store %arg2[%swap3A_90, %swap3A_91], %broadcast_in_dim3A_89 {strides = array<i32>} : memref<1x12800xf32, #tpu.memory_space<vmem>>, vector<1x64xf32>,
    %broadcast_in_dim3A_93 = vector.shape_cast %get3A_2 : vector<64xf32> to vector<1x64xf32>
    %swap3A_94 = arith.constant 0 : index
    %swap3A_95 = arith.constant 1472 : index
    %swap3A_96 = vector.load %arg2[%swap3A_94, %swap3A_95] : memref<1x12800xf32, #tpu.memory_space<vmem>>, vector<1x64xf32>
    tpu.vector_store %arg2[%swap3A_94, %swap3A_95], %broadcast_in_dim3A_93 {strides = array<i32>} : memref<1x12800xf32, #tpu.memory_space<vmem>>, vector<1x64xf32>,
    %broadcast_in_dim3A_97 = vector.shape_cast %get3A_2 : vector<64xf32> to vector<1x64xf32>
    %swap3A_98 = arith.constant 0 : index
    %swap3A_99 = arith.constant 1536 : index
    %swap3A_100 = vector.load %arg2[%swap3A_98, %swap3A_99] : memref<1x12800xf32, #tpu.memory_space<vmem>>, vector<1x64xf32>
    tpu.vector_store %arg2[%swap3A_98, %swap3A_99], %broadcast_in_dim3A_97 {strides = array<i32>} : memref<1x12800xf32, #tpu.memory_space<vmem>>, vector<1x64xf32>,
    %broadcast_in_dim3A_101 = vector.shape_cast %get3A_2 : vector<64xf32> to vector<1x64xf32>
    %swap3A_102 = arith.constant 0 : index
    %swap3A_103 = arith.constant 1600 : index
    %swap3A_104 = vector.load %arg2[%swap3A_102, %swap3A_103] : memref<1x12800xf32, #tpu.memory_space<vmem>>, vector<1x64xf32>
    tpu.vector_store %arg2[%swap3A_102, %swap3A_103], %broadcast_in_dim3A_101 {strides = array<i32>} : memref<1x12800xf32, #tpu.memory_space<vmem>>, vector<1x64xf32>,
    %broadcast_in_dim3A_105 = vector.shape_cast %get3A_2 : vector<64xf32> to vector<1x64xf32>
    %swap3A_106 = arith.constant 0 : index
    %swap3A_107 = arith.constant 1664 : index
    %swap3A_108 = vector.load %arg2[%swap3A_106, %swap3A_107] : memref<1x12800xf32, #tpu.memory_space<vmem>>, vector<1x64xf32>
    tpu.vector_store %arg2[%swap3A_106, %swap3A_107], %broadcast_in_dim3A_105 {strides = array<i32>} : memref<1x12800xf32, #tpu.memory_space<vmem>>, vector<1x64xf32>,
    %broadcast_in_dim3A_109 = vector.shape_cast %get3A_2 : vector<64xf32> to vector<1x64xf32>
    %swap3A_110 = arith.constant 0 : index
    %swap3A_111 = arith.constant 1728 : index
    %swap3A_112 = vector.load %arg2[%swap3A_110, %swap3A_111] : memref<1x12800xf32, #tpu.memory_space<vmem>>, vector<1x64xf32>
    tpu.vector_store %arg2[%swap3A_110, %swap3A_111], %broadcast_in_dim3A_109 {strides = array<i32>} : memref<1x12800xf32, #tpu.memory_space<vmem>>, vector<1x64xf32>,
    %broadcast_in_dim3A_113 = vector.shape_cast %get3A_2 : vector<64xf32> to vector<1x64xf32>
    %swap3A_114 = arith.constant 0 : index
    %swap3A_115 = arith.constant 1792 : index
    %swap3A_116 = vector.load %arg2[%swap3A_114, %swap3A_115] : memref<1x12800xf32, #tpu.memory_space<vmem>>, vector<1x64xf32>
    tpu.vector_store %arg2[%swap3A_114, %swap3A_115], %broadcast_in_dim3A_113 {strides = array<i32>} : memref<1x12800xf32, #tpu.memory_space<vmem>>, vector<1x64xf32>,
    %broadcast_in_dim3A_117 = vector.shape_cast %get3A_2 : vector<64xf32> to vector<1x64xf32>
    %swap3A_118 = arith.constant 0 : index
    %swap3A_119 = arith.constant 1856 : index
    %swap3A_120 = vector.load %arg2[%swap3A_118, %swap3A_119] : memref<1x12800xf32, #tpu.memory_space<vmem>>, vector<1x64xf32>
    tpu.vector_store %arg2[%swap3A_118, %swap3A_119], %broadcast_in_dim3A_117 {strides = array<i32>} : memref<1x12800xf32, #tpu.memory_space<vmem>>, vector<1x64xf32>,
    %broadcast_in_dim3A_121 = vector.shape_cast %get3A_2 : vector<64xf32> to vector<1x64xf32>
    %swap3A_122 = arith.constant 0 : index
    %swap3A_123 = arith.constant 1920 : index
    %swap3A_124 = vector.load %arg2[%swap3A_122, %swap3A_123] : memref<1x12800xf32, #tpu.memory_space<vmem>>, vector<1x64xf32>
    tpu.vector_store %arg2[%swap3A_122, %swap3A_123], %broadcast_in_dim3A_121 {strides = array<i32>} : memref<1x12800xf32, #tpu.memory_space<vmem>>, vector<1x64xf32>,
    %broadcast_in_dim3A_125 = vector.shape_cast %get3A_2 : vector<64xf32> to vector<1x64xf32>
    %swap3A_126 = arith.constant 0 : index
    %swap3A_127 = arith.constant 1984 : index
    %swap3A_128 = vector.load %arg2[%swap3A_126, %swap3A_127] : memref<1x12800xf32, #tpu.memory_space<vmem>>, vector<1x64xf32>
    tpu.vector_store %arg2[%swap3A_126, %swap3A_127], %broadcast_in_dim3A_125 {strides = array<i32>} : memref<1x12800xf32, #tpu.memory_space<vmem>>, vector<1x64xf32>,
    %broadcast_in_dim3A_129 = vector.shape_cast %get3A_2 : vector<64xf32> to vector<1x64xf32>
    %swap3A_130 = arith.constant 0 : index
    %swap3A_131 = arith.constant 2048 : index
    %swap3A_132 = vector.load %arg2[%swap3A_130, %swap3A_131] : memref<1x12800xf32, #tpu.memory_space<vmem>>, vector<1x64xf32>
    tpu.vector_store %arg2[%swap3A_130, %swap3A_131], %broadcast_in_dim3A_129 {strides = array<i32>} : memref<1x12800xf32, #tpu.memory_space<vmem>>, vector<1x64xf32>,
    %broadcast_in_dim3A_133 = vector.shape_cast %get3A_2 : vector<64xf32> to vector<1x64xf32>
    %swap3A_134 = arith.constant 0 : index
    %swap3A_135 = arith.constant 2112 : index
    %swap3A_136 = vector.load %arg2[%swap3A_134, %swap3A_135] : memref<1x12800xf32, #tpu.memory_space<vmem>>, vector<1x64xf32>
    tpu.vector_store %arg2[%swap3A_134, %swap3A_135], %broadcast_in_dim3A_133 {strides = array<i32>} : memref<1x12800xf32, #tpu.memory_space<vmem>>, vector<1x64xf32>,
    %broadcast_in_dim3A_137 = vector.shape_cast %get3A_2 : vector<64xf32> to vector<1x64xf32>
    %swap3A_138 = arith.constant 0 : index
    %swap3A_139 = arith.constant 2176 : index
    %swap3A_140 = vector.load %arg2[%swap3A_138, %swap3A_139] : memref<1x12800xf32, #tpu.memory_space<vmem>>, vector<1x64xf32>
    tpu.vector_store %arg2[%swap3A_138, %swap3A_139], %broadcast_in_dim3A_137 {strides = array<i32>} : memref<1x12800xf32, #tpu.memory_space<vmem>>, vector<1x64xf32>,
    %broadcast_in_dim3A_141 = vector.shape_cast %get3A_2 : vector<64xf32> to vector<1x64xf32>
    %swap3A_142 = arith.constant 0 : index
    %swap3A_143 = arith.constant 2240 : index
    %swap3A_144 = vector.load %arg2[%swap3A_142, %swap3A_143] : memref<1x12800xf32, #tpu.memory_space<vmem>>, vector<1x64xf32>
    tpu.vector_store %arg2[%swap3A_142, %swap3A_143], %broadcast_in_dim3A_141 {strides = array<i32>} : memref<1x12800xf32, #tpu.memory_space<vmem>>, vector<1x64xf32>,
    %broadcast_in_dim3A_145 = vector.shape_cast %get3A_2 : vector<64xf32> to vector<1x64xf32>
    %swap3A_146 = arith.constant 0 : index
    %swap3A_147 = arith.constant 2304 : index
    %swap3A_148 = vector.load %arg2[%swap3A_146, %swap3A_147] : memref<1x12800xf32, #tpu.memory_space<vmem>>, vector<1x64xf32>
    tpu.vector_store %arg2[%swap3A_146, %swap3A_147], %broadcast_in_dim3A_145 {strides = array<i32>} : memref<1x12800xf32, #tpu.memory_space<vmem>>, vector<1x64xf32>,
    %broadcast_in_dim3A_149 = vector.shape_cast %get3A_2 : vector<64xf32> to vector<1x64xf32>
    %swap3A_150 = arith.constant 0 : index
    %swap3A_151 = arith.constant 2368 : index
    %swap3A_152 = vector.load %arg2[%swap3A_150, %swap3A_151] : memref<1x12800xf32, #tpu.memory_space<vmem>>, vector<1x64xf32>
    tpu.vector_store %arg2[%swap3A_150, %swap3A_151], %broadcast_in_dim3A_149 {strides = array<i32>} : memref<1x12800xf32, #tpu.memory_space<vmem>>, vector<1x64xf32>,
    %broadcast_in_dim3A_153 = vector.shape_cast %get3A_2 : vector<64xf32> to vector<1x64xf32>
    %swap3A_154 = arith.constant 0 : index
    %swap3A_155 = arith.constant 2432 : index
    %swap3A_156 = vector.load %arg2[%swap3A_154, %swap3A_155] : memref<1x12800xf32, #tpu.memory_space<vmem>>, vector<1x64xf32>
    tpu.vector_store %arg2[%swap3A_154, %swap3A_155], %broadcast_in_dim3A_153 {strides = array<i32>} : memref<1x12800xf32, #tpu.memory_space<vmem>>, vector<1x64xf32>,
    %broadcast_in_dim3A_157 = vector.shape_cast %get3A_2 : vector<64xf32> to vector<1x64xf32>
    %swap3A_158 = arith.constant 0 : index
    %swap3A_159 = arith.constant 2496 : index
    %swap3A_160 = vector.load %arg2[%swap3A_158, %swap3A_159] : memref<1x12800xf32, #tpu.memory_space<vmem>>, vector<1x64xf32>
    tpu.vector_store %arg2[%swap3A_158, %swap3A_159], %broadcast_in_dim3A_157 {strides = array<i32>} : memref<1x12800xf32, #tpu.memory_space<vmem>>, vector<1x64xf32>,
    %broadcast_in_dim3A_161 = vector.shape_cast %get3A_2 : vector<64xf32> to vector<1x64xf32>
    %swap3A_162 = arith.constant 0 : index
    %swap3A_163 = arith.constant 2560 : index
    %swap3A_164 = vector.load %arg2[%swap3A_162, %swap3A_163] : memref<1x12800xf32, #tpu.memory_space<vmem>>, vector<1x64xf32>
    tpu.vector_store %arg2[%swap3A_162, %swap3A_163], %broadcast_in_dim3A_161 {strides = array<i32>} : memref<1x12800xf32, #tpu.memory_space<vmem>>, vector<1x64xf32>,
    %broadcast_in_dim3A_165 = vector.shape_cast %get3A_2 : vector<64xf32> to vector<1x64xf32>
    %swap3A_166 = arith.constant 0 : index
    %swap3A_167 = arith.constant 2624 : index
    %swap3A_168 = vector.load %arg2[%swap3A_166, %swap3A_167] : memref<1x12800xf32, #tpu.memory_space<vmem>>, vector<1x64xf32>
    tpu.vector_store %arg2[%swap3A_166, %swap3A_167], %broadcast_in_dim3A_165 {strides = array<i32>} : memref<1x12800xf32, #tpu.memory_space<vmem>>, vector<1x64xf32>,
    %broadcast_in_dim3A_169 = vector.shape_cast %get3A_2 : vector<64xf32> to vector<1x64xf32>
    %swap3A_170 = arith.constant 0 : index
    %swap3A_171 = arith.constant 2688 : index
    %swap3A_172 = vector.load %arg2[%swap3A_170, %swap3A_171] : memref<1x12800xf32, #tpu.memory_space<vmem>>, vector<1x64xf32>
    tpu.vector_store %arg2[%swap3A_170, %swap3A_171], %broadcast_in_dim3A_169 {strides = array<i32>} : memref<1x12800xf32, #tpu.memory_space<vmem>>, vector<1x64xf32>,
    %broadcast_in_dim3A_173 = vector.shape_cast %get3A_2 : vector<64xf32> to vector<1x64xf32>
    %swap3A_174 = arith.constant 0 : index
    %swap3A_175 = arith.constant 2752 : index
    %swap3A_176 = vector.load %arg2[%swap3A_174, %swap3A_175] : memref<1x12800xf32, #tpu.memory_space<vmem>>, vector<1x64xf32>
    tpu.vector_store %arg2[%swap3A_174, %swap3A_175], %broadcast_in_dim3A_173 {strides = array<i32>} : memref<1x12800xf32, #tpu.memory_space<vmem>>, vector<1x64xf32>,
    %broadcast_in_dim3A_177 = vector.shape_cast %get3A_2 : vector<64xf32> to vector<1x64xf32>
    %swap3A_178 = arith.constant 0 : index
    %swap3A_179 = arith.constant 2816 : index
    %swap3A_180 = vector.load %arg2[%swap3A_178, %swap3A_179] : memref<1x12800xf32, #tpu.memory_space<vmem>>, vector<1x64xf32>
    tpu.vector_store %arg2[%swap3A_178, %swap3A_179], %broadcast_in_dim3A_177 {strides = array<i32>} : memref<1x12800xf32, #tpu.memory_space<vmem>>, vector<1x64xf32>,
    %broadcast_in_dim3A_181 = vector.shape_cast %get3A_2 : vector<64xf32> to vector<1x64xf32>
    %swap3A_182 = arith.constant 0 : index
    %swap3A_183 = arith.constant 2880 : index
    %swap3A_184 = vector.load %arg2[%swap3A_182, %swap3A_183] : memref<1x12800xf32, #tpu.memory_space<vmem>>, vector<1x64xf32>
    tpu.vector_store %arg2[%swap3A_182, %swap3A_183], %broadcast_in_dim3A_181 {strides = array<i32>} : memref<1x12800xf32, #tpu.memory_space<vmem>>, vector<1x64xf32>,
    %broadcast_in_dim3A_185 = vector.shape_cast %get3A_2 : vector<64xf32> to vector<1x64xf32>
    %swap3A_186 = arith.constant 0 : index
    %swap3A_187 = arith.constant 2944 : index
    %swap3A_188 = vector.load %arg2[%swap3A_186, %swap3A_187] : memref<1x12800xf32, #tpu.memory_space<vmem>>, vector<1x64xf32>
    tpu.vector_store %arg2[%swap3A_186, %swap3A_187], %broadcast_in_dim3A_185 {strides = array<i32>} : memref<1x12800xf32, #tpu.memory_space<vmem>>, vector<1x64xf32>,
    %broadcast_in_dim3A_189 = vector.shape_cast %get3A_2 : vector<64xf32> to vector<1x64xf32>
    %swap3A_190 = arith.constant 0 : index
    %swap3A_191 = arith.constant 3008 : index
    %swap3A_192 = vector.load %arg2[%swap3A_190, %swap3A_191] : memref<1x12800xf32, #tpu.memory_space<vmem>>, vector<1x64xf32>
    tpu.vector_store %arg2[%swap3A_190, %swap3A_191], %broadcast_in_dim3A_189 {strides = array<i32>} : memref<1x12800xf32, #tpu.memory_space<vmem>>, vector<1x64xf32>,
    %broadcast_in_dim3A_193 = vector.shape_cast %get3A_2 : vector<64xf32> to vector<1x64xf32>
    %swap3A_194 = arith.constant 0 : index
    %swap3A_195 = arith.constant 3072 : index
    %swap3A_196 = vector.load %arg2[%swap3A_194, %swap3A_195] : memref<1x12800xf32, #tpu.memory_space<vmem>>, vector<1x64xf32>
    tpu.vector_store %arg2[%swap3A_194, %swap3A_195], %broadcast_in_dim3A_193 {strides = array<i32>} : memref<1x12800xf32, #tpu.memory_space<vmem>>, vector<1x64xf32>,
    %broadcast_in_dim3A_197 = vector.shape_cast %get3A_2 : vector<64xf32> to vector<1x64xf32>
    %swap3A_198 = arith.constant 0 : index
    %swap3A_199 = arith.constant 3136 : index
    %swap3A_200 = vector.load %arg2[%swap3A_198, %swap3A_199] : memref<1x12800xf32, #tpu.memory_space<vmem>>, vector<1x64xf32>
    tpu.vector_store %arg2[%swap3A_198, %swap3A_199], %broadcast_in_dim3A_197 {strides = array<i32>} : memref<1x12800xf32, #tpu.memory_space<vmem>>, vector<1x64xf32>,
    %broadcast_in_dim3A_201 = vector.shape_cast %get3A_2 : vector<64xf32> to vector<1x64xf32>
    %swap3A_202 = arith.constant 0 : index
    %swap3A_203 = arith.constant 3200 : index
    %swap3A_204 = vector.load %arg2[%swap3A_202, %swap3A_203] : memref<1x12800xf32, #tpu.memory_space<vmem>>, vector<1x64xf32>
    tpu.vector_store %arg2[%swap3A_202, %swap3A_203], %broadcast_in_dim3A_201 {strides = array<i32>} : memref<1x12800xf32, #tpu.memory_space<vmem>>, vector<1x64xf32>,
    %broadcast_in_dim3A_205 = vector.shape_cast %get3A_2 : vector<64xf32> to vector<1x64xf32>
    %swap3A_206 = arith.constant 0 : index
    %swap3A_207 = arith.constant 3264 : index
    %swap3A_208 = vector.load %arg2[%swap3A_206, %swap3A_207] : memref<1x12800xf32, #tpu.memory_space<vmem>>, vector<1x64xf32>
    tpu.vector_store %arg2[%swap3A_206, %swap3A_207], %broadcast_in_dim3A_205 {strides = array<i32>} : memref<1x12800xf32, #tpu.memory_space<vmem>>, vector<1x64xf32>,
    %broadcast_in_dim3A_209 = vector.shape_cast %get3A_2 : vector<64xf32> to vector<1x64xf32>
    %swap3A_210 = arith.constant 0 : index
    %swap3A_211 = arith.constant 3328 : index
    %swap3A_212 = vector.load %arg2[%swap3A_210, %swap3A_211] : memref<1x12800xf32, #tpu.memory_space<vmem>>, vector<1x64xf32>
    tpu.vector_store %arg2[%swap3A_210, %swap3A_211], %broadcast_in_dim3A_209 {strides = array<i32>} : memref<1x12800xf32, #tpu.memory_space<vmem>>, vector<1x64xf32>,
    %broadcast_in_dim3A_213 = vector.shape_cast %get3A_2 : vector<64xf32> to vector<1x64xf32>
    %swap3A_214 = arith.constant 0 : index
    %swap3A_215 = arith.constant 3392 : index
    %swap3A_216 = vector.load %arg2[%swap3A_214, %swap3A_215] : memref<1x12800xf32, #tpu.memory_space<vmem>>, vector<1x64xf32>
    tpu.vector_store %arg2[%swap3A_214, %swap3A_215], %broadcast_in_dim3A_213 {strides = array<i32>} : memref<1x12800xf32, #tpu.memory_space<vmem>>, vector<1x64xf32>,
    %broadcast_in_dim3A_217 = vector.shape_cast %get3A_2 : vector<64xf32> to vector<1x64xf32>
    %swap3A_218 = arith.constant 0 : index
    %swap3A_219 = arith.constant 3456 : index
    %swap3A_220 = vector.load %arg2[%swap3A_218, %swap3A_219] : memref<1x12800xf32, #tpu.memory_space<vmem>>, vector<1x64xf32>
    tpu.vector_store %arg2[%swap3A_218, %swap3A_219], %broadcast_in_dim3A_217 {strides = array<i32>} : memref<1x12800xf32, #tpu.memory_space<vmem>>, vector<1x64xf32>,
    %broadcast_in_dim3A_221 = vector.shape_cast %get3A_2 : vector<64xf32> to vector<1x64xf32>
    %swap3A_222 = arith.constant 0 : index
    %swap3A_223 = arith.constant 3520 : index
    %swap3A_224 = vector.load %arg2[%swap3A_222, %swap3A_223] : memref<1x12800xf32, #tpu.memory_space<vmem>>, vector<1x64xf32>
    tpu.vector_store %arg2[%swap3A_222, %swap3A_223], %broadcast_in_dim3A_221 {strides = array<i32>} : memref<1x12800xf32, #tpu.memory_space<vmem>>, vector<1x64xf32>,
    %broadcast_in_dim3A_225 = vector.shape_cast %get3A_2 : vector<64xf32> to vector<1x64xf32>
    %swap3A_226 = arith.constant 0 : index
    %swap3A_227 = arith.constant 3584 : index
    %swap3A_228 = vector.load %arg2[%swap3A_226, %swap3A_227] : memref<1x12800xf32, #tpu.memory_space<vmem>>, vector<1x64xf32>
    tpu.vector_store %arg2[%swap3A_226, %swap3A_227], %broadcast_in_dim3A_225 {strides = array<i32>} : memref<1x12800xf32, #tpu.memory_space<vmem>>, vector<1x64xf32>,
    %broadcast_in_dim3A_229 = vector.shape_cast %get3A_2 : vector<64xf32> to vector<1x64xf32>
    %swap3A_230 = arith.constant 0 : index
    %swap3A_231 = arith.constant 3648 : index
    %swap3A_232 = vector.load %arg2[%swap3A_230, %swap3A_231] : memref<1x12800xf32, #tpu.memory_space<vmem>>, vector<1x64xf32>
    tpu.vector_store %arg2[%swap3A_230, %swap3A_231], %broadcast_in_dim3A_229 {strides = array<i32>} : memref<1x12800xf32, #tpu.memory_space<vmem>>, vector<1x64xf32>,
    %broadcast_in_dim3A_233 = vector.shape_cast %get3A_2 : vector<64xf32> to vector<1x64xf32>
    %swap3A_234 = arith.constant 0 : index
    %swap3A_235 = arith.constant 3712 : index
    %swap3A_236 = vector.load %arg2[%swap3A_234, %swap3A_235] : memref<1x12800xf32, #tpu.memory_space<vmem>>, vector<1x64xf32>
    tpu.vector_store %arg2[%swap3A_234, %swap3A_235], %broadcast_in_dim3A_233 {strides = array<i32>} : memref<1x12800xf32, #tpu.memory_space<vmem>>, vector<1x64xf32>,
    %broadcast_in_dim3A_237 = vector.shape_cast %get3A_2 : vector<64xf32> to vector<1x64xf32>
    %swap3A_238 = arith.constant 0 : index
    %swap3A_239 = arith.constant 3776 : index
    %swap3A_240 = vector.load %arg2[%swap3A_238, %swap3A_239] : memref<1x12800xf32, #tpu.memory_space<vmem>>, vector<1x64xf32>
    tpu.vector_store %arg2[%swap3A_238, %swap3A_239], %broadcast_in_dim3A_237 {strides = array<i32>} : memref<1x12800xf32, #tpu.memory_space<vmem>>, vector<1x64xf32>,
    %broadcast_in_dim3A_241 = vector.shape_cast %get3A_2 : vector<64xf32> to vector<1x64xf32>
    %swap3A_242 = arith.constant 0 : index
    %swap3A_243 = arith.constant 3840 : index
    %swap3A_244 = vector.load %arg2[%swap3A_242, %swap3A_243] : memref<1x12800xf32, #tpu.memory_space<vmem>>, vector<1x64xf32>
    tpu.vector_store %arg2[%swap3A_242, %swap3A_243], %broadcast_in_dim3A_241 {strides = array<i32>} : memref<1x12800xf32, #tpu.memory_space<vmem>>, vector<1x64xf32>,
    %broadcast_in_dim3A_245 = vector.shape_cast %get3A_2 : vector<64xf32> to vector<1x64xf32>
    %swap3A_246 = arith.constant 0 : index
    %swap3A_247 = arith.constant 3904 : index
    %swap3A_248 = vector.load %arg2[%swap3A_246, %swap3A_247] : memref<1x12800xf32, #tpu.memory_space<vmem>>, vector<1x64xf32>
    tpu.vector_store %arg2[%swap3A_246, %swap3A_247], %broadcast_in_dim3A_245 {strides = array<i32>} : memref<1x12800xf32, #tpu.memory_space<vmem>>, vector<1x64xf32>,
    %broadcast_in_dim3A_249 = vector.shape_cast %get3A_2 : vector<64xf32> to vector<1x64xf32>
    %swap3A_250 = arith.constant 0 : index
    %swap3A_251 = arith.constant 3968 : index
    %swap3A_252 = vector.load %arg2[%swap3A_250, %swap3A_251] : memref<1x12800xf32, #tpu.memory_space<vmem>>, vector<1x64xf32>
    tpu.vector_store %arg2[%swap3A_250, %swap3A_251], %broadcast_in_dim3A_249 {strides = array<i32>} : memref<1x12800xf32, #tpu.memory_space<vmem>>, vector<1x64xf32>,
    %broadcast_in_dim3A_253 = vector.shape_cast %get3A_2 : vector<64xf32> to vector<1x64xf32>
    %swap3A_254 = arith.constant 0 : index
    %swap3A_255 = arith.constant 4032 : index
    %swap3A_256 = vector.load %arg2[%swap3A_254, %swap3A_255] : memref<1x12800xf32, #tpu.memory_space<vmem>>, vector<1x64xf32>
    tpu.vector_store %arg2[%swap3A_254, %swap3A_255], %broadcast_in_dim3A_253 {strides = array<i32>} : memref<1x12800xf32, #tpu.memory_space<vmem>>, vector<1x64xf32>,
    %broadcast_in_dim3A_257 = vector.shape_cast %get3A_2 : vector<64xf32> to vector<1x64xf32>
    %swap3A_258 = arith.constant 0 : index
    %swap3A_259 = arith.constant 4096 : index
    %swap3A_260 = vector.load %arg2[%swap3A_258, %swap3A_259] : memref<1x12800xf32, #tpu.memory_space<vmem>>, vector<1x64xf32>
    tpu.vector_store %arg2[%swap3A_258, %swap3A_259], %broadcast_in_dim3A_257 {strides = array<i32>} : memref<1x12800xf32, #tpu.memory_space<vmem>>, vector<1x64xf32>,
    %broadcast_in_dim3A_261 = vector.shape_cast %get3A_2 : vector<64xf32> to vector<1x64xf32>
    %swap3A_262 = arith.constant 0 : index
    %swap3A_263 = arith.constant 4160 : index
    %swap3A_264 = vector.load %arg2[%swap3A_262, %swap3A_263] : memref<1x12800xf32, #tpu.memory_space<vmem>>, vector<1x64xf32>
    tpu.vector_store %arg2[%swap3A_262, %swap3A_263], %broadcast_in_dim3A_261 {strides = array<i32>} : memref<1x12800xf32, #tpu.memory_space<vmem>>, vector<1x64xf32>,
    %broadcast_in_dim3A_265 = vector.shape_cast %get3A_2 : vector<64xf32> to vector<1x64xf32>
    %swap3A_266 = arith.constant 0 : index
    %swap3A_267 = arith.constant 4224 : index
    %swap3A_268 = vector.load %arg2[%swap3A_266, %swap3A_267] : memref<1x12800xf32, #tpu.memory_space<vmem>>, vector<1x64xf32>
    tpu.vector_store %arg2[%swap3A_266, %swap3A_267], %broadcast_in_dim3A_265 {strides = array<i32>} : memref<1x12800xf32, #tpu.memory_space<vmem>>, vector<1x64xf32>,
    %broadcast_in_dim3A_269 = vector.shape_cast %get3A_2 : vector<64xf32> to vector<1x64xf32>
    %swap3A_270 = arith.constant 0 : index
    %swap3A_271 = arith.constant 4288 : index
    %swap3A_272 = vector.load %arg2[%swap3A_270, %swap3A_271] : memref<1x12800xf32, #tpu.memory_space<vmem>>, vector<1x64xf32>
    tpu.vector_store %arg2[%swap3A_270, %swap3A_271], %broadcast_in_dim3A_269 {strides = array<i32>} : memref<1x12800xf32, #tpu.memory_space<vmem>>, vector<1x64xf32>,
    %broadcast_in_dim3A_273 = vector.shape_cast %get3A_2 : vector<64xf32> to vector<1x64xf32>
    %swap3A_274 = arith.constant 0 : index
    %swap3A_275 = arith.constant 4352 : index
    %swap3A_276 = vector.load %arg2[%swap3A_274, %swap3A_275] : memref<1x12800xf32, #tpu.memory_space<vmem>>, vector<1x64xf32>
    tpu.vector_store %arg2[%swap3A_274, %swap3A_275], %broadcast_in_dim3A_273 {strides = array<i32>} : memref<1x12800xf32, #tpu.memory_space<vmem>>, vector<1x64xf32>,
    %broadcast_in_dim3A_277 = vector.shape_cast %get3A_2 : vector<64xf32> to vector<1x64xf32>
    %swap3A_278 = arith.constant 0 : index
    %swap3A_279 = arith.constant 4416 : index
    %swap3A_280 = vector.load %arg2[%swap3A_278, %swap3A_279] : memref<1x12800xf32, #tpu.memory_space<vmem>>, vector<1x64xf32>
    tpu.vector_store %arg2[%swap3A_278, %swap3A_279], %broadcast_in_dim3A_277 {strides = array<i32>} : memref<1x12800xf32, #tpu.memory_space<vmem>>, vector<1x64xf32>,
    %broadcast_in_dim3A_281 = vector.shape_cast %get3A_2 : vector<64xf32> to vector<1x64xf32>
    %swap3A_282 = arith.constant 0 : index
    %swap3A_283 = arith.constant 4480 : index
    %swap3A_284 = vector.load %arg2[%swap3A_282, %swap3A_283] : memref<1x12800xf32, #tpu.memory_space<vmem>>, vector<1x64xf32>
    tpu.vector_store %arg2[%swap3A_282, %swap3A_283], %broadcast_in_dim3A_281 {strides = array<i32>} : memref<1x12800xf32, #tpu.memory_space<vmem>>, vector<1x64xf32>,
    %broadcast_in_dim3A_285 = vector.shape_cast %get3A_2 : vector<64xf32> to vector<1x64xf32>
    %swap3A_286 = arith.constant 0 : index
    %swap3A_287 = arith.constant 4544 : index
    %swap3A_288 = vector.load %arg2[%swap3A_286, %swap3A_287] : memref<1x12800xf32, #tpu.memory_space<vmem>>, vector<1x64xf32>
    tpu.vector_store %arg2[%swap3A_286, %swap3A_287], %broadcast_in_dim3A_285 {strides = array<i32>} : memref<1x12800xf32, #tpu.memory_space<vmem>>, vector<1x64xf32>,
    %broadcast_in_dim3A_289 = vector.shape_cast %get3A_2 : vector<64xf32> to vector<1x64xf32>
    %swap3A_290 = arith.constant 0 : index
    %swap3A_291 = arith.constant 4608 : index
    %swap3A_292 = vector.load %arg2[%swap3A_290, %swap3A_291] : memref<1x12800xf32, #tpu.memory_space<vmem>>, vector<1x64xf32>
    tpu.vector_store %arg2[%swap3A_290, %swap3A_291], %broadcast_in_dim3A_289 {strides = array<i32>} : memref<1x12800xf32, #tpu.memory_space<vmem>>, vector<1x64xf32>,
    %broadcast_in_dim3A_293 = vector.shape_cast %get3A_2 : vector<64xf32> to vector<1x64xf32>
    %swap3A_294 = arith.constant 0 : index
    %swap3A_295 = arith.constant 4672 : index
    %swap3A_296 = vector.load %arg2[%swap3A_294, %swap3A_295] : memref<1x12800xf32, #tpu.memory_space<vmem>>, vector<1x64xf32>
    tpu.vector_store %arg2[%swap3A_294, %swap3A_295], %broadcast_in_dim3A_293 {strides = array<i32>} : memref<1x12800xf32, #tpu.memory_space<vmem>>, vector<1x64xf32>,
    %broadcast_in_dim3A_297 = vector.shape_cast %get3A_2 : vector<64xf32> to vector<1x64xf32>
    %swap3A_298 = arith.constant 0 : index
    %swap3A_299 = arith.constant 4736 : index
    %swap3A_300 = vector.load %arg2[%swap3A_298, %swap3A_299] : memref<1x12800xf32, #tpu.memory_space<vmem>>, vector<1x64xf32>
    tpu.vector_store %arg2[%swap3A_298, %swap3A_299], %broadcast_in_dim3A_297 {strides = array<i32>} : memref<1x12800xf32, #tpu.memory_space<vmem>>, vector<1x64xf32>,
    %broadcast_in_dim3A_301 = vector.shape_cast %get3A_2 : vector<64xf32> to vector<1x64xf32>
    %swap3A_302 = arith.constant 0 : index
    %swap3A_303 = arith.constant 4800 : index
    %swap3A_304 = vector.load %arg2[%swap3A_302, %swap3A_303] : memref<1x12800xf32, #tpu.memory_space<vmem>>, vector<1x64xf32>
    tpu.vector_store %arg2[%swap3A_302, %swap3A_303], %broadcast_in_dim3A_301 {strides = array<i32>} : memref<1x12800xf32, #tpu.memory_space<vmem>>, vector<1x64xf32>,
    %broadcast_in_dim3A_305 = vector.shape_cast %get3A_2 : vector<64xf32> to vector<1x64xf32>
    %swap3A_306 = arith.constant 0 : index
    %swap3A_307 = arith.constant 4864 : index
    %swap3A_308 = vector.load %arg2[%swap3A_306, %swap3A_307] : memref<1x12800xf32, #tpu.memory_space<vmem>>, vector<1x64xf32>
    tpu.vector_store %arg2[%swap3A_306, %swap3A_307], %broadcast_in_dim3A_305 {strides = array<i32>} : memref<1x12800xf32, #tpu.memory_space<vmem>>, vector<1x64xf32>,
    %broadcast_in_dim3A_309 = vector.shape_cast %get3A_2 : vector<64xf32> to vector<1x64xf32>
    %swap3A_310 = arith.constant 0 : index
    %swap3A_311 = arith.constant 4928 : index
    %swap3A_312 = vector.load %arg2[%swap3A_310, %swap3A_311] : memref<1x12800xf32, #tpu.memory_space<vmem>>, vector<1x64xf32>
    tpu.vector_store %arg2[%swap3A_310, %swap3A_311], %broadcast_in_dim3A_309 {strides = array<i32>} : memref<1x12800xf32, #tpu.memory_space<vmem>>, vector<1x64xf32>,
    %broadcast_in_dim3A_313 = vector.shape_cast %get3A_2 : vector<64xf32> to vector<1x64xf32>
    %swap3A_314 = arith.constant 0 : index
    %swap3A_315 = arith.constant 4992 : index
    %swap3A_316 = vector.load %arg2[%swap3A_314, %swap3A_315] : memref<1x12800xf32, #tpu.memory_space<vmem>>, vector<1x64xf32>
    tpu.vector_store %arg2[%swap3A_314, %swap3A_315], %broadcast_in_dim3A_313 {strides = array<i32>} : memref<1x12800xf32, #tpu.memory_space<vmem>>, vector<1x64xf32>,
    %broadcast_in_dim3A_317 = vector.shape_cast %get3A_2 : vector<64xf32> to vector<1x64xf32>
    %swap3A_318 = arith.constant 0 : index
    %swap3A_319 = arith.constant 5056 : index
    %swap3A_320 = vector.load %arg2[%swap3A_318, %swap3A_319] : memref<1x12800xf32, #tpu.memory_space<vmem>>, vector<1x64xf32>
    tpu.vector_store %arg2[%swap3A_318, %swap3A_319], %broadcast_in_dim3A_317 {strides = array<i32>} : memref<1x12800xf32, #tpu.memory_space<vmem>>, vector<1x64xf32>,
    %broadcast_in_dim3A_321 = vector.shape_cast %get3A_2 : vector<64xf32> to vector<1x64xf32>
    %swap3A_322 = arith.constant 0 : index
    %swap3A_323 = arith.constant 5120 : index
    %swap3A_324 = vector.load %arg2[%swap3A_322, %swap3A_323] : memref<1x12800xf32, #tpu.memory_space<vmem>>, vector<1x64xf32>
    tpu.vector_store %arg2[%swap3A_322, %swap3A_323], %broadcast_in_dim3A_321 {strides = array<i32>} : memref<1x12800xf32, #tpu.memory_space<vmem>>, vector<1x64xf32>,
    %broadcast_in_dim3A_325 = vector.shape_cast %get3A_2 : vector<64xf32> to vector<1x64xf32>
    %swap3A_326 = arith.constant 0 : index
    %swap3A_327 = arith.constant 5184 : index
    %swap3A_328 = vector.load %arg2[%swap3A_326, %swap3A_327] : memref<1x12800xf32, #tpu.memory_space<vmem>>, vector<1x64xf32>
    tpu.vector_store %arg2[%swap3A_326, %swap3A_327], %broadcast_in_dim3A_325 {strides = array<i32>} : memref<1x12800xf32, #tpu.memory_space<vmem>>, vector<1x64xf32>,
    %broadcast_in_dim3A_329 = vector.shape_cast %get3A_2 : vector<64xf32> to vector<1x64xf32>
    %swap3A_330 = arith.constant 0 : index
    %swap3A_331 = arith.constant 5248 : index
    %swap3A_332 = vector.load %arg2[%swap3A_330, %swap3A_331] : memref<1x12800xf32, #tpu.memory_space<vmem>>, vector<1x64xf32>
    tpu.vector_store %arg2[%swap3A_330, %swap3A_331], %broadcast_in_dim3A_329 {strides = array<i32>} : memref<1x12800xf32, #tpu.memory_space<vmem>>, vector<1x64xf32>,
    %broadcast_in_dim3A_333 = vector.shape_cast %get3A_2 : vector<64xf32> to vector<1x64xf32>
    %swap3A_334 = arith.constant 0 : index
    %swap3A_335 = arith.constant 5312 : index
    %swap3A_336 = vector.load %arg2[%swap3A_334, %swap3A_335] : memref<1x12800xf32, #tpu.memory_space<vmem>>, vector<1x64xf32>
    tpu.vector_store %arg2[%swap3A_334, %swap3A_335], %broadcast_in_dim3A_333 {strides = array<i32>} : memref<1x12800xf32, #tpu.memory_space<vmem>>, vector<1x64xf32>,
    %broadcast_in_dim3A_337 = vector.shape_cast %get3A_2 : vector<64xf32> to vector<1x64xf32>
    %swap3A_338 = arith.constant 0 : index
    %swap3A_339 = arith.constant 5376 : index
    %swap3A_340 = vector.load %arg2[%swap3A_338, %swap3A_339] : memref<1x12800xf32, #tpu.memory_space<vmem>>, vector<1x64xf32>
    tpu.vector_store %arg2[%swap3A_338, %swap3A_339], %broadcast_in_dim3A_337 {strides = array<i32>} : memref<1x12800xf32, #tpu.memory_space<vmem>>, vector<1x64xf32>,
    %broadcast_in_dim3A_341 = vector.shape_cast %get3A_2 : vector<64xf32> to vector<1x64xf32>
    %swap3A_342 = arith.constant 0 : index
    %swap3A_343 = arith.constant 5440 : index
    %swap3A_344 = vector.load %arg2[%swap3A_342, %swap3A_343] : memref<1x12800xf32, #tpu.memory_space<vmem>>, vector<1x64xf32>
    tpu.vector_store %arg2[%swap3A_342, %swap3A_343], %broadcast_in_dim3A_341 {strides = array<i32>} : memref<1x12800xf32, #tpu.memory_space<vmem>>, vector<1x64xf32>,
    %broadcast_in_dim3A_345 = vector.shape_cast %get3A_2 : vector<64xf32> to vector<1x64xf32>
    %swap3A_346 = arith.constant 0 : index
    %swap3A_347 = arith.constant 5504 : index
    %swap3A_348 = vector.load %arg2[%swap3A_346, %swap3A_347] : memref<1x12800xf32, #tpu.memory_space<vmem>>, vector<1x64xf32>
    tpu.vector_store %arg2[%swap3A_346, %swap3A_347], %broadcast_in_dim3A_345 {strides = array<i32>} : memref<1x12800xf32, #tpu.memory_space<vmem>>, vector<1x64xf32>,
    %broadcast_in_dim3A_349 = vector.shape_cast %get3A_2 : vector<64xf32> to vector<1x64xf32>
    %swap3A_350 = arith.constant 0 : index
    %swap3A_351 = arith.constant 5568 : index
    %swap3A_352 = vector.load %arg2[%swap3A_350, %swap3A_351] : memref<1x12800xf32, #tpu.memory_space<vmem>>, vector<1x64xf32>
    tpu.vector_store %arg2[%swap3A_350, %swap3A_351], %broadcast_in_dim3A_349 {strides = array<i32>} : memref<1x12800xf32, #tpu.memory_space<vmem>>, vector<1x64xf32>,
    %broadcast_in_dim3A_353 = vector.shape_cast %get3A_2 : vector<64xf32> to vector<1x64xf32>
    %swap3A_354 = arith.constant 0 : index
    %swap3A_355 = arith.constant 5632 : index
    %swap3A_356 = vector.load %arg2[%swap3A_354, %swap3A_355] : memref<1x12800xf32, #tpu.memory_space<vmem>>, vector<1x64xf32>
    tpu.vector_store %arg2[%swap3A_354, %swap3A_355], %broadcast_in_dim3A_353 {strides = array<i32>} : memref<1x12800xf32, #tpu.memory_space<vmem>>, vector<1x64xf32>,
    %broadcast_in_dim3A_357 = vector.shape_cast %get3A_2 : vector<64xf32> to vector<1x64xf32>
    %swap3A_358 = arith.constant 0 : index
    %swap3A_359 = arith.constant 5696 : index
    %swap3A_360 = vector.load %arg2[%swap3A_358, %swap3A_359] : memref<1x12800xf32, #tpu.memory_space<vmem>>, vector<1x64xf32>
    tpu.vector_store %arg2[%swap3A_358, %swap3A_359], %broadcast_in_dim3A_357 {strides = array<i32>} : memref<1x12800xf32, #tpu.memory_space<vmem>>, vector<1x64xf32>,
    %broadcast_in_dim3A_361 = vector.shape_cast %get3A_2 : vector<64xf32> to vector<1x64xf32>
    %swap3A_362 = arith.constant 0 : index
    %swap3A_363 = arith.constant 5760 : index
    %swap3A_364 = vector.load %arg2[%swap3A_362, %swap3A_363] : memref<1x12800xf32, #tpu.memory_space<vmem>>, vector<1x64xf32>
    tpu.vector_store %arg2[%swap3A_362, %swap3A_363], %broadcast_in_dim3A_361 {strides = array<i32>} : memref<1x12800xf32, #tpu.memory_space<vmem>>, vector<1x64xf32>,
    %broadcast_in_dim3A_365 = vector.shape_cast %get3A_2 : vector<64xf32> to vector<1x64xf32>
    %swap3A_366 = arith.constant 0 : index
    %swap3A_367 = arith.constant 5824 : index
    %swap3A_368 = vector.load %arg2[%swap3A_366, %swap3A_367] : memref<1x12800xf32, #tpu.memory_space<vmem>>, vector<1x64xf32>
    tpu.vector_store %arg2[%swap3A_366, %swap3A_367], %broadcast_in_dim3A_365 {strides = array<i32>} : memref<1x12800xf32, #tpu.memory_space<vmem>>, vector<1x64xf32>,
    %broadcast_in_dim3A_369 = vector.shape_cast %get3A_2 : vector<64xf32> to vector<1x64xf32>
    %swap3A_370 = arith.constant 0 : index
    %swap3A_371 = arith.constant 5888 : index
    %swap3A_372 = vector.load %arg2[%swap3A_370, %swap3A_371] : memref<1x12800xf32, #tpu.memory_space<vmem>>, vector<1x64xf32>
    tpu.vector_store %arg2[%swap3A_370, %swap3A_371], %broadcast_in_dim3A_369 {strides = array<i32>} : memref<1x12800xf32, #tpu.memory_space<vmem>>, vector<1x64xf32>,
    %broadcast_in_dim3A_373 = vector.shape_cast %get3A_2 : vector<64xf32> to vector<1x64xf32>
    %swap3A_374 = arith.constant 0 : index
    %swap3A_375 = arith.constant 5952 : index
    %swap3A_376 = vector.load %arg2[%swap3A_374, %swap3A_375] : memref<1x12800xf32, #tpu.memory_space<vmem>>, vector<1x64xf32>
    tpu.vector_store %arg2[%swap3A_374, %swap3A_375], %broadcast_in_dim3A_373 {strides = array<i32>} : memref<1x12800xf32, #tpu.memory_space<vmem>>, vector<1x64xf32>,
    %broadcast_in_dim3A_377 = vector.shape_cast %get3A_2 : vector<64xf32> to vector<1x64xf32>
    %swap3A_378 = arith.constant 0 : index
    %swap3A_379 = arith.constant 6016 : index
    %swap3A_380 = vector.load %arg2[%swap3A_378, %swap3A_379] : memref<1x12800xf32, #tpu.memory_space<vmem>>, vector<1x64xf32>
    tpu.vector_store %arg2[%swap3A_378, %swap3A_379], %broadcast_in_dim3A_377 {strides = array<i32>} : memref<1x12800xf32, #tpu.memory_space<vmem>>, vector<1x64xf32>,
    %broadcast_in_dim3A_381 = vector.shape_cast %get3A_2 : vector<64xf32> to vector<1x64xf32>
    %swap3A_382 = arith.constant 0 : index
    %swap3A_383 = arith.constant 6080 : index
    %swap3A_384 = vector.load %arg2[%swap3A_382, %swap3A_383] : memref<1x12800xf32, #tpu.memory_space<vmem>>, vector<1x64xf32>
    tpu.vector_store %arg2[%swap3A_382, %swap3A_383], %broadcast_in_dim3A_381 {strides = array<i32>} : memref<1x12800xf32, #tpu.memory_space<vmem>>, vector<1x64xf32>,
    %broadcast_in_dim3A_385 = vector.shape_cast %get3A_2 : vector<64xf32> to vector<1x64xf32>
    %swap3A_386 = arith.constant 0 : index
    %swap3A_387 = arith.constant 6144 : index
    %swap3A_388 = vector.load %arg2[%swap3A_386, %swap3A_387] : memref<1x12800xf32, #tpu.memory_space<vmem>>, vector<1x64xf32>
    tpu.vector_store %arg2[%swap3A_386, %swap3A_387], %broadcast_in_dim3A_385 {strides = array<i32>} : memref<1x12800xf32, #tpu.memory_space<vmem>>, vector<1x64xf32>,
    %broadcast_in_dim3A_389 = vector.shape_cast %get3A_2 : vector<64xf32> to vector<1x64xf32>
    %swap3A_390 = arith.constant 0 : index
    %swap3A_391 = arith.constant 6208 : index
    %swap3A_392 = vector.load %arg2[%swap3A_390, %swap3A_391] : memref<1x12800xf32, #tpu.memory_space<vmem>>, vector<1x64xf32>
    tpu.vector_store %arg2[%swap3A_390, %swap3A_391], %broadcast_in_dim3A_389 {strides = array<i32>} : memref<1x12800xf32, #tpu.memory_space<vmem>>, vector<1x64xf32>,
    %broadcast_in_dim3A_393 = vector.shape_cast %get3A_2 : vector<64xf32> to vector<1x64xf32>
    %swap3A_394 = arith.constant 0 : index
    %swap3A_395 = arith.constant 6272 : index
    %swap3A_396 = vector.load %arg2[%swap3A_394, %swap3A_395] : memref<1x12800xf32, #tpu.memory_space<vmem>>, vector<1x64xf32>
    tpu.vector_store %arg2[%swap3A_394, %swap3A_395], %broadcast_in_dim3A_393 {strides = array<i32>} : memref<1x12800xf32, #tpu.memory_space<vmem>>, vector<1x64xf32>,
    %broadcast_in_dim3A_397 = vector.shape_cast %get3A_2 : vector<64xf32> to vector<1x64xf32>
    %swap3A_398 = arith.constant 0 : index
    %swap3A_399 = arith.constant 6336 : index
    %swap3A_400 = vector.load %arg2[%swap3A_398, %swap3A_399] : memref<1x12800xf32, #tpu.memory_space<vmem>>, vector<1x64xf32>
    tpu.vector_store %arg2[%swap3A_398, %swap3A_399], %broadcast_in_dim3A_397 {strides = array<i32>} : memref<1x12800xf32, #tpu.memory_space<vmem>>, vector<1x64xf32>,
    %broadcast_in_dim3A_401 = vector.shape_cast %get3A_2 : vector<64xf32> to vector<1x64xf32>
    %swap3A_402 = arith.constant 0 : index
    %swap3A_403 = arith.constant 6400 : index
    %swap3A_404 = vector.load %arg2[%swap3A_402, %swap3A_403] : memref<1x12800xf32, #tpu.memory_space<vmem>>, vector<1x64xf32>
    tpu.vector_store %arg2[%swap3A_402, %swap3A_403], %broadcast_in_dim3A_401 {strides = array<i32>} : memref<1x12800xf32, #tpu.memory_space<vmem>>, vector<1x64xf32>,
    %broadcast_in_dim3A_405 = vector.shape_cast %get3A_2 : vector<64xf32> to vector<1x64xf32>
    %swap3A_406 = arith.constant 0 : index
    %swap3A_407 = arith.constant 6464 : index
    %swap3A_408 = vector.load %arg2[%swap3A_406, %swap3A_407] : memref<1x12800xf32, #tpu.memory_space<vmem>>, vector<1x64xf32>
    tpu.vector_store %arg2[%swap3A_406, %swap3A_407], %broadcast_in_dim3A_405 {strides = array<i32>} : memref<1x12800xf32, #tpu.memory_space<vmem>>, vector<1x64xf32>,
    %broadcast_in_dim3A_409 = vector.shape_cast %get3A_2 : vector<64xf32> to vector<1x64xf32>
    %swap3A_410 = arith.constant 0 : index
    %swap3A_411 = arith.constant 6528 : index
    %swap3A_412 = vector.load %arg2[%swap3A_410, %swap3A_411] : memref<1x12800xf32, #tpu.memory_space<vmem>>, vector<1x64xf32>
    tpu.vector_store %arg2[%swap3A_410, %swap3A_411], %broadcast_in_dim3A_409 {strides = array<i32>} : memref<1x12800xf32, #tpu.memory_space<vmem>>, vector<1x64xf32>,
    %broadcast_in_dim3A_413 = vector.shape_cast %get3A_2 : vector<64xf32> to vector<1x64xf32>
    %swap3A_414 = arith.constant 0 : index
    %swap3A_415 = arith.constant 6592 : index
    %swap3A_416 = vector.load %arg2[%swap3A_414, %swap3A_415] : memref<1x12800xf32, #tpu.memory_space<vmem>>, vector<1x64xf32>
    tpu.vector_store %arg2[%swap3A_414, %swap3A_415], %broadcast_in_dim3A_413 {strides = array<i32>} : memref<1x12800xf32, #tpu.memory_space<vmem>>, vector<1x64xf32>,
    %broadcast_in_dim3A_417 = vector.shape_cast %get3A_2 : vector<64xf32> to vector<1x64xf32>
    %swap3A_418 = arith.constant 0 : index
    %swap3A_419 = arith.constant 6656 : index
    %swap3A_420 = vector.load %arg2[%swap3A_418, %swap3A_419] : memref<1x12800xf32, #tpu.memory_space<vmem>>, vector<1x64xf32>
    tpu.vector_store %arg2[%swap3A_418, %swap3A_419], %broadcast_in_dim3A_417 {strides = array<i32>} : memref<1x12800xf32, #tpu.memory_space<vmem>>, vector<1x64xf32>,
    %broadcast_in_dim3A_421 = vector.shape_cast %get3A_2 : vector<64xf32> to vector<1x64xf32>
    %swap3A_422 = arith.constant 0 : index
    %swap3A_423 = arith.constant 6720 : index
    %swap3A_424 = vector.load %arg2[%swap3A_422, %swap3A_423] : memref<1x12800xf32, #tpu.memory_space<vmem>>, vector<1x64xf32>
    tpu.vector_store %arg2[%swap3A_422, %swap3A_423], %broadcast_in_dim3A_421 {strides = array<i32>} : memref<1x12800xf32, #tpu.memory_space<vmem>>, vector<1x64xf32>,
    %broadcast_in_dim3A_425 = vector.shape_cast %get3A_2 : vector<64xf32> to vector<1x64xf32>
    %swap3A_426 = arith.constant 0 : index
    %swap3A_427 = arith.constant 6784 : index
    %swap3A_428 = vector.load %arg2[%swap3A_426, %swap3A_427] : memref<1x12800xf32, #tpu.memory_space<vmem>>, vector<1x64xf32>
    tpu.vector_store %arg2[%swap3A_426, %swap3A_427], %broadcast_in_dim3A_425 {strides = array<i32>} : memref<1x12800xf32, #tpu.memory_space<vmem>>, vector<1x64xf32>,
    %broadcast_in_dim3A_429 = vector.shape_cast %get3A_2 : vector<64xf32> to vector<1x64xf32>
    %swap3A_430 = arith.constant 0 : index
    %swap3A_431 = arith.constant 6848 : index
    %swap3A_432 = vector.load %arg2[%swap3A_430, %swap3A_431] : memref<1x12800xf32, #tpu.memory_space<vmem>>, vector<1x64xf32>
    tpu.vector_store %arg2[%swap3A_430, %swap3A_431], %broadcast_in_dim3A_429 {strides = array<i32>} : memref<1x12800xf32, #tpu.memory_space<vmem>>, vector<1x64xf32>,
    %broadcast_in_dim3A_433 = vector.shape_cast %get3A_2 : vector<64xf32> to vector<1x64xf32>
    %swap3A_434 = arith.constant 0 : index
    %swap3A_435 = arith.constant 6912 : index
    %swap3A_436 = vector.load %arg2[%swap3A_434, %swap3A_435] : memref<1x12800xf32, #tpu.memory_space<vmem>>, vector<1x64xf32>
    tpu.vector_store %arg2[%swap3A_434, %swap3A_435], %broadcast_in_dim3A_433 {strides = array<i32>} : memref<1x12800xf32, #tpu.memory_space<vmem>>, vector<1x64xf32>,
    %broadcast_in_dim3A_437 = vector.shape_cast %get3A_2 : vector<64xf32> to vector<1x64xf32>
    %swap3A_438 = arith.constant 0 : index
    %swap3A_439 = arith.constant 6976 : index
    %swap3A_440 = vector.load %arg2[%swap3A_438, %swap3A_439] : memref<1x12800xf32, #tpu.memory_space<vmem>>, vector<1x64xf32>
    tpu.vector_store %arg2[%swap3A_438, %swap3A_439], %broadcast_in_dim3A_437 {strides = array<i32>} : memref<1x12800xf32, #tpu.memory_space<vmem>>, vector<1x64xf32>,
    %broadcast_in_dim3A_441 = vector.shape_cast %get3A_2 : vector<64xf32> to vector<1x64xf32>
    %swap3A_442 = arith.constant 0 : index
    %swap3A_443 = arith.constant 7040 : index
    %swap3A_444 = vector.load %arg2[%swap3A_442, %swap3A_443] : memref<1x12800xf32, #tpu.memory_space<vmem>>, vector<1x64xf32>
    tpu.vector_store %arg2[%swap3A_442, %swap3A_443], %broadcast_in_dim3A_441 {strides = array<i32>} : memref<1x12800xf32, #tpu.memory_space<vmem>>, vector<1x64xf32>,
    %broadcast_in_dim3A_445 = vector.shape_cast %get3A_2 : vector<64xf32> to vector<1x64xf32>
    %swap3A_446 = arith.constant 0 : index
    %swap3A_447 = arith.constant 7104 : index
    %swap3A_448 = vector.load %arg2[%swap3A_446, %swap3A_447] : memref<1x12800xf32, #tpu.memory_space<vmem>>, vector<1x64xf32>
    tpu.vector_store %arg2[%swap3A_446, %swap3A_447], %broadcast_in_dim3A_445 {strides = array<i32>} : memref<1x12800xf32, #tpu.memory_space<vmem>>, vector<1x64xf32>,
    %broadcast_in_dim3A_449 = vector.shape_cast %get3A_2 : vector<64xf32> to vector<1x64xf32>
    %swap3A_450 = arith.constant 0 : index
    %swap3A_451 = arith.constant 7168 : index
    %swap3A_452 = vector.load %arg2[%swap3A_450, %swap3A_451] : memref<1x12800xf32, #tpu.memory_space<vmem>>, vector<1x64xf32>
    tpu.vector_store %arg2[%swap3A_450, %swap3A_451], %broadcast_in_dim3A_449 {strides = array<i32>} : memref<1x12800xf32, #tpu.memory_space<vmem>>, vector<1x64xf32>,
    %broadcast_in_dim3A_453 = vector.shape_cast %get3A_2 : vector<64xf32> to vector<1x64xf32>
    %swap3A_454 = arith.constant 0 : index
    %swap3A_455 = arith.constant 7232 : index
    %swap3A_456 = vector.load %arg2[%swap3A_454, %swap3A_455] : memref<1x12800xf32, #tpu.memory_space<vmem>>, vector<1x64xf32>
    tpu.vector_store %arg2[%swap3A_454, %swap3A_455], %broadcast_in_dim3A_453 {strides = array<i32>} : memref<1x12800xf32, #tpu.memory_space<vmem>>, vector<1x64xf32>,
    %broadcast_in_dim3A_457 = vector.shape_cast %get3A_2 : vector<64xf32> to vector<1x64xf32>
    %swap3A_458 = arith.constant 0 : index
    %swap3A_459 = arith.constant 7296 : index
    %swap3A_460 = vector.load %arg2[%swap3A_458, %swap3A_459] : memref<1x12800xf32, #tpu.memory_space<vmem>>, vector<1x64xf32>
    tpu.vector_store %arg2[%swap3A_458, %swap3A_459], %broadcast_in_dim3A_457 {strides = array<i32>} : memref<1x12800xf32, #tpu.memory_space<vmem>>, vector<1x64xf32>,
    %broadcast_in_dim3A_461 = vector.shape_cast %get3A_2 : vector<64xf32> to vector<1x64xf32>
    %swap3A_462 = arith.constant 0 : index
    %swap3A_463 = arith.constant 7360 : index
    %swap3A_464 = vector.load %arg2[%swap3A_462, %swap3A_463] : memref<1x12800xf32, #tpu.memory_space<vmem>>, vector<1x64xf32>
    tpu.vector_store %arg2[%swap3A_462, %swap3A_463], %broadcast_in_dim3A_461 {strides = array<i32>} : memref<1x12800xf32, #tpu.memory_space<vmem>>, vector<1x64xf32>,
    %broadcast_in_dim3A_465 = vector.shape_cast %get3A_2 : vector<64xf32> to vector<1x64xf32>
    %swap3A_466 = arith.constant 0 : index
    %swap3A_467 = arith.constant 7424 : index
    %swap3A_468 = vector.load %arg2[%swap3A_466, %swap3A_467] : memref<1x12800xf32, #tpu.memory_space<vmem>>, vector<1x64xf32>
    tpu.vector_store %arg2[%swap3A_466, %swap3A_467], %broadcast_in_dim3A_465 {strides = array<i32>} : memref<1x12800xf32, #tpu.memory_space<vmem>>, vector<1x64xf32>,
    %broadcast_in_dim3A_469 = vector.shape_cast %get3A_2 : vector<64xf32> to vector<1x64xf32>
    %swap3A_470 = arith.constant 0 : index
    %swap3A_471 = arith.constant 7488 : index
    %swap3A_472 = vector.load %arg2[%swap3A_470, %swap3A_471] : memref<1x12800xf32, #tpu.memory_space<vmem>>, vector<1x64xf32>
    tpu.vector_store %arg2[%swap3A_470, %swap3A_471], %broadcast_in_dim3A_469 {strides = array<i32>} : memref<1x12800xf32, #tpu.memory_space<vmem>>, vector<1x64xf32>,
    %broadcast_in_dim3A_473 = vector.shape_cast %get3A_2 : vector<64xf32> to vector<1x64xf32>
    %swap3A_474 = arith.constant 0 : index
    %swap3A_475 = arith.constant 7552 : index
    %swap3A_476 = vector.load %arg2[%swap3A_474, %swap3A_475] : memref<1x12800xf32, #tpu.memory_space<vmem>>, vector<1x64xf32>
    tpu.vector_store %arg2[%swap3A_474, %swap3A_475], %broadcast_in_dim3A_473 {strides = array<i32>} : memref<1x12800xf32, #tpu.memory_space<vmem>>, vector<1x64xf32>,
    %broadcast_in_dim3A_477 = vector.shape_cast %get3A_2 : vector<64xf32> to vector<1x64xf32>
    %swap3A_478 = arith.constant 0 : index
    %swap3A_479 = arith.constant 7616 : index
    %swap3A_480 = vector.load %arg2[%swap3A_478, %swap3A_479] : memref<1x12800xf32, #tpu.memory_space<vmem>>, vector<1x64xf32>
    tpu.vector_store %arg2[%swap3A_478, %swap3A_479], %broadcast_in_dim3A_477 {strides = array<i32>} : memref<1x12800xf32, #tpu.memory_space<vmem>>, vector<1x64xf32>,
    %broadcast_in_dim3A_481 = vector.shape_cast %get3A_2 : vector<64xf32> to vector<1x64xf32>
    %swap3A_482 = arith.constant 0 : index
    %swap3A_483 = arith.constant 7680 : index
    %swap3A_484 = vector.load %arg2[%swap3A_482, %swap3A_483] : memref<1x12800xf32, #tpu.memory_space<vmem>>, vector<1x64xf32>
    tpu.vector_store %arg2[%swap3A_482, %swap3A_483], %broadcast_in_dim3A_481 {strides = array<i32>} : memref<1x12800xf32, #tpu.memory_space<vmem>>, vector<1x64xf32>,
    %broadcast_in_dim3A_485 = vector.shape_cast %get3A_2 : vector<64xf32> to vector<1x64xf32>
    %swap3A_486 = arith.constant 0 : index
    %swap3A_487 = arith.constant 7744 : index
    %swap3A_488 = vector.load %arg2[%swap3A_486, %swap3A_487] : memref<1x12800xf32, #tpu.memory_space<vmem>>, vector<1x64xf32>
    tpu.vector_store %arg2[%swap3A_486, %swap3A_487], %broadcast_in_dim3A_485 {strides = array<i32>} : memref<1x12800xf32, #tpu.memory_space<vmem>>, vector<1x64xf32>,
    %broadcast_in_dim3A_489 = vector.shape_cast %get3A_2 : vector<64xf32> to vector<1x64xf32>
    %swap3A_490 = arith.constant 0 : index
    %swap3A_491 = arith.constant 7808 : index
    %swap3A_492 = vector.load %arg2[%swap3A_490, %swap3A_491] : memref<1x12800xf32, #tpu.memory_space<vmem>>, vector<1x64xf32>
    tpu.vector_store %arg2[%swap3A_490, %swap3A_491], %broadcast_in_dim3A_489 {strides = array<i32>} : memref<1x12800xf32, #tpu.memory_space<vmem>>, vector<1x64xf32>,
    %broadcast_in_dim3A_493 = vector.shape_cast %get3A_2 : vector<64xf32> to vector<1x64xf32>
    %swap3A_494 = arith.constant 0 : index
    %swap3A_495 = arith.constant 7872 : index
    %swap3A_496 = vector.load %arg2[%swap3A_494, %swap3A_495] : memref<1x12800xf32, #tpu.memory_space<vmem>>, vector<1x64xf32>
    tpu.vector_store %arg2[%swap3A_494, %swap3A_495], %broadcast_in_dim3A_493 {strides = array<i32>} : memref<1x12800xf32, #tpu.memory_space<vmem>>, vector<1x64xf32>,
    %broadcast_in_dim3A_497 = vector.shape_cast %get3A_2 : vector<64xf32> to vector<1x64xf32>
    %swap3A_498 = arith.constant 0 : index
    %swap3A_499 = arith.constant 7936 : index
    %swap3A_500 = vector.load %arg2[%swap3A_498, %swap3A_499] : memref<1x12800xf32, #tpu.memory_space<vmem>>, vector<1x64xf32>
    tpu.vector_store %arg2[%swap3A_498, %swap3A_499], %broadcast_in_dim3A_497 {strides = array<i32>} : memref<1x12800xf32, #tpu.memory_space<vmem>>, vector<1x64xf32>,
    %broadcast_in_dim3A_501 = vector.shape_cast %get3A_2 : vector<64xf32> to vector<1x64xf32>
    %swap3A_502 = arith.constant 0 : index
    %swap3A_503 = arith.constant 8000 : index
    %swap3A_504 = vector.load %arg2[%swap3A_502, %swap3A_503] : memref<1x12800xf32, #tpu.memory_space<vmem>>, vector<1x64xf32>
    tpu.vector_store %arg2[%swap3A_502, %swap3A_503], %broadcast_in_dim3A_501 {strides = array<i32>} : memref<1x12800xf32, #tpu.memory_space<vmem>>, vector<1x64xf32>,
    %broadcast_in_dim3A_505 = vector.shape_cast %get3A_2 : vector<64xf32> to vector<1x64xf32>
    %swap3A_506 = arith.constant 0 : index
    %swap3A_507 = arith.constant 8064 : index
    %swap3A_508 = vector.load %arg2[%swap3A_506, %swap3A_507] : memref<1x12800xf32, #tpu.memory_space<vmem>>, vector<1x64xf32>
    tpu.vector_store %arg2[%swap3A_506, %swap3A_507], %broadcast_in_dim3A_505 {strides = array<i32>} : memref<1x12800xf32, #tpu.memory_space<vmem>>, vector<1x64xf32>,
    %broadcast_in_dim3A_509 = vector.shape_cast %get3A_2 : vector<64xf32> to vector<1x64xf32>
    %swap3A_510 = arith.constant 0 : index
    %swap3A_511 = arith.constant 8128 : index
    %swap3A_512 = vector.load %arg2[%swap3A_510, %swap3A_511] : memref<1x12800xf32, #tpu.memory_space<vmem>>, vector<1x64xf32>
    tpu.vector_store %arg2[%swap3A_510, %swap3A_511], %broadcast_in_dim3A_509 {strides = array<i32>} : memref<1x12800xf32, #tpu.memory_space<vmem>>, vector<1x64xf32>,
    %broadcast_in_dim3A_513 = vector.shape_cast %get3A_2 : vector<64xf32> to vector<1x64xf32>
    %swap3A_514 = arith.constant 0 : index
    %swap3A_515 = arith.constant 8192 : index
    %swap3A_516 = vector.load %arg2[%swap3A_514, %swap3A_515] : memref<1x12800xf32, #tpu.memory_space<vmem>>, vector<1x64xf32>
    tpu.vector_store %arg2[%swap3A_514, %swap3A_515], %broadcast_in_dim3A_513 {strides = array<i32>} : memref<1x12800xf32, #tpu.memory_space<vmem>>, vector<1x64xf32>,
    %broadcast_in_dim3A_517 = vector.shape_cast %get3A_2 : vector<64xf32> to vector<1x64xf32>
    %swap3A_518 = arith.constant 0 : index
    %swap3A_519 = arith.constant 8256 : index
    %swap3A_520 = vector.load %arg2[%swap3A_518, %swap3A_519] : memref<1x12800xf32, #tpu.memory_space<vmem>>, vector<1x64xf32>
    tpu.vector_store %arg2[%swap3A_518, %swap3A_519], %broadcast_in_dim3A_517 {strides = array<i32>} : memref<1x12800xf32, #tpu.memory_space<vmem>>, vector<1x64xf32>,
    %broadcast_in_dim3A_521 = vector.shape_cast %get3A_2 : vector<64xf32> to vector<1x64xf32>
    %swap3A_522 = arith.constant 0 : index
    %swap3A_523 = arith.constant 8320 : index
    %swap3A_524 = vector.load %arg2[%swap3A_522, %swap3A_523] : memref<1x12800xf32, #tpu.memory_space<vmem>>, vector<1x64xf32>
    tpu.vector_store %arg2[%swap3A_522, %swap3A_523], %broadcast_in_dim3A_521 {strides = array<i32>} : memref<1x12800xf32, #tpu.memory_space<vmem>>, vector<1x64xf32>,
    %broadcast_in_dim3A_525 = vector.shape_cast %get3A_2 : vector<64xf32> to vector<1x64xf32>
    %swap3A_526 = arith.constant 0 : index
    %swap3A_527 = arith.constant 8384 : index
    %swap3A_528 = vector.load %arg2[%swap3A_526, %swap3A_527] : memref<1x12800xf32, #tpu.memory_space<vmem>>, vector<1x64xf32>
    tpu.vector_store %arg2[%swap3A_526, %swap3A_527], %broadcast_in_dim3A_525 {strides = array<i32>} : memref<1x12800xf32, #tpu.memory_space<vmem>>, vector<1x64xf32>,
    %broadcast_in_dim3A_529 = vector.shape_cast %get3A_2 : vector<64xf32> to vector<1x64xf32>
    %swap3A_530 = arith.constant 0 : index
    %swap3A_531 = arith.constant 8448 : index
    %swap3A_532 = vector.load %arg2[%swap3A_530, %swap3A_531] : memref<1x12800xf32, #tpu.memory_space<vmem>>, vector<1x64xf32>
    tpu.vector_store %arg2[%swap3A_530, %swap3A_531], %broadcast_in_dim3A_529 {strides = array<i32>} : memref<1x12800xf32, #tpu.memory_space<vmem>>, vector<1x64xf32>,
    %broadcast_in_dim3A_533 = vector.shape_cast %get3A_2 : vector<64xf32> to vector<1x64xf32>
    %swap3A_534 = arith.constant 0 : index
    %swap3A_535 = arith.constant 8512 : index
    %swap3A_536 = vector.load %arg2[%swap3A_534, %swap3A_535] : memref<1x12800xf32, #tpu.memory_space<vmem>>, vector<1x64xf32>
    tpu.vector_store %arg2[%swap3A_534, %swap3A_535], %broadcast_in_dim3A_533 {strides = array<i32>} : memref<1x12800xf32, #tpu.memory_space<vmem>>, vector<1x64xf32>,
    %broadcast_in_dim3A_537 = vector.shape_cast %get3A_2 : vector<64xf32> to vector<1x64xf32>
    %swap3A_538 = arith.constant 0 : index
    %swap3A_539 = arith.constant 8576 : index
    %swap3A_540 = vector.load %arg2[%swap3A_538, %swap3A_539] : memref<1x12800xf32, #tpu.memory_space<vmem>>, vector<1x64xf32>
    tpu.vector_store %arg2[%swap3A_538, %swap3A_539], %broadcast_in_dim3A_537 {strides = array<i32>} : memref<1x12800xf32, #tpu.memory_space<vmem>>, vector<1x64xf32>,
    %broadcast_in_dim3A_541 = vector.shape_cast %get3A_2 : vector<64xf32> to vector<1x64xf32>
    %swap3A_542 = arith.constant 0 : index
    %swap3A_543 = arith.constant 8640 : index
    %swap3A_544 = vector.load %arg2[%swap3A_542, %swap3A_543] : memref<1x12800xf32, #tpu.memory_space<vmem>>, vector<1x64xf32>
    tpu.vector_store %arg2[%swap3A_542, %swap3A_543], %broadcast_in_dim3A_541 {strides = array<i32>} : memref<1x12800xf32, #tpu.memory_space<vmem>>, vector<1x64xf32>,
    %broadcast_in_dim3A_545 = vector.shape_cast %get3A_2 : vector<64xf32> to vector<1x64xf32>
    %swap3A_546 = arith.constant 0 : index
    %swap3A_547 = arith.constant 8704 : index
    %swap3A_548 = vector.load %arg2[%swap3A_546, %swap3A_547] : memref<1x12800xf32, #tpu.memory_space<vmem>>, vector<1x64xf32>
    tpu.vector_store %arg2[%swap3A_546, %swap3A_547], %broadcast_in_dim3A_545 {strides = array<i32>} : memref<1x12800xf32, #tpu.memory_space<vmem>>, vector<1x64xf32>,
    %broadcast_in_dim3A_549 = vector.shape_cast %get3A_2 : vector<64xf32> to vector<1x64xf32>
    %swap3A_550 = arith.constant 0 : index
    %swap3A_551 = arith.constant 8768 : index
    %swap3A_552 = vector.load %arg2[%swap3A_550, %swap3A_551] : memref<1x12800xf32, #tpu.memory_space<vmem>>, vector<1x64xf32>
    tpu.vector_store %arg2[%swap3A_550, %swap3A_551], %broadcast_in_dim3A_549 {strides = array<i32>} : memref<1x12800xf32, #tpu.memory_space<vmem>>, vector<1x64xf32>,
    %broadcast_in_dim3A_553 = vector.shape_cast %get3A_2 : vector<64xf32> to vector<1x64xf32>
    %swap3A_554 = arith.constant 0 : index
    %swap3A_555 = arith.constant 8832 : index
    %swap3A_556 = vector.load %arg2[%swap3A_554, %swap3A_555] : memref<1x12800xf32, #tpu.memory_space<vmem>>, vector<1x64xf32>
    tpu.vector_store %arg2[%swap3A_554, %swap3A_555], %broadcast_in_dim3A_553 {strides = array<i32>} : memref<1x12800xf32, #tpu.memory_space<vmem>>, vector<1x64xf32>,
    %broadcast_in_dim3A_557 = vector.shape_cast %get3A_2 : vector<64xf32> to vector<1x64xf32>
    %swap3A_558 = arith.constant 0 : index
    %swap3A_559 = arith.constant 8896 : index
    %swap3A_560 = vector.load %arg2[%swap3A_558, %swap3A_559] : memref<1x12800xf32, #tpu.memory_space<vmem>>, vector<1x64xf32>
    tpu.vector_store %arg2[%swap3A_558, %swap3A_559], %broadcast_in_dim3A_557 {strides = array<i32>} : memref<1x12800xf32, #tpu.memory_space<vmem>>, vector<1x64xf32>,
    %broadcast_in_dim3A_561 = vector.shape_cast %get3A_2 : vector<64xf32> to vector<1x64xf32>
    %swap3A_562 = arith.constant 0 : index
    %swap3A_563 = arith.constant 8960 : index
    %swap3A_564 = vector.load %arg2[%swap3A_562, %swap3A_563] : memref<1x12800xf32, #tpu.memory_space<vmem>>, vector<1x64xf32>
    tpu.vector_store %arg2[%swap3A_562, %swap3A_563], %broadcast_in_dim3A_561 {strides = array<i32>} : memref<1x12800xf32, #tpu.memory_space<vmem>>, vector<1x64xf32>,
    %broadcast_in_dim3A_565 = vector.shape_cast %get3A_2 : vector<64xf32> to vector<1x64xf32>
    %swap3A_566 = arith.constant 0 : index
    %swap3A_567 = arith.constant 9024 : index
    %swap3A_568 = vector.load %arg2[%swap3A_566, %swap3A_567] : memref<1x12800xf32, #tpu.memory_space<vmem>>, vector<1x64xf32>
    tpu.vector_store %arg2[%swap3A_566, %swap3A_567], %broadcast_in_dim3A_565 {strides = array<i32>} : memref<1x12800xf32, #tpu.memory_space<vmem>>, vector<1x64xf32>,
    %broadcast_in_dim3A_569 = vector.shape_cast %get3A_2 : vector<64xf32> to vector<1x64xf32>
    %swap3A_570 = arith.constant 0 : index
    %swap3A_571 = arith.constant 9088 : index
    %swap3A_572 = vector.load %arg2[%swap3A_570, %swap3A_571] : memref<1x12800xf32, #tpu.memory_space<vmem>>, vector<1x64xf32>
    tpu.vector_store %arg2[%swap3A_570, %swap3A_571], %broadcast_in_dim3A_569 {strides = array<i32>} : memref<1x12800xf32, #tpu.memory_space<vmem>>, vector<1x64xf32>,
    %broadcast_in_dim3A_573 = vector.shape_cast %get3A_2 : vector<64xf32> to vector<1x64xf32>
    %swap3A_574 = arith.constant 0 : index
    %swap3A_575 = arith.constant 9152 : index
    %swap3A_576 = vector.load %arg2[%swap3A_574, %swap3A_575] : memref<1x12800xf32, #tpu.memory_space<vmem>>, vector<1x64xf32>
    tpu.vector_store %arg2[%swap3A_574, %swap3A_575], %broadcast_in_dim3A_573 {strides = array<i32>} : memref<1x12800xf32, #tpu.memory_space<vmem>>, vector<1x64xf32>,
    %broadcast_in_dim3A_577 = vector.shape_cast %get3A_2 : vector<64xf32> to vector<1x64xf32>
    %swap3A_578 = arith.constant 0 : index
    %swap3A_579 = arith.constant 9216 : index
    %swap3A_580 = vector.load %arg2[%swap3A_578, %swap3A_579] : memref<1x12800xf32, #tpu.memory_space<vmem>>, vector<1x64xf32>
    tpu.vector_store %arg2[%swap3A_578, %swap3A_579], %broadcast_in_dim3A_577 {strides = array<i32>} : memref<1x12800xf32, #tpu.memory_space<vmem>>, vector<1x64xf32>,
    %broadcast_in_dim3A_581 = vector.shape_cast %get3A_2 : vector<64xf32> to vector<1x64xf32>
    %swap3A_582 = arith.constant 0 : index
    %swap3A_583 = arith.constant 9280 : index
    %swap3A_584 = vector.load %arg2[%swap3A_582, %swap3A_583] : memref<1x12800xf32, #tpu.memory_space<vmem>>, vector<1x64xf32>
    tpu.vector_store %arg2[%swap3A_582, %swap3A_583], %broadcast_in_dim3A_581 {strides = array<i32>} : memref<1x12800xf32, #tpu.memory_space<vmem>>, vector<1x64xf32>,
    %broadcast_in_dim3A_585 = vector.shape_cast %get3A_2 : vector<64xf32> to vector<1x64xf32>
    %swap3A_586 = arith.constant 0 : index
    %swap3A_587 = arith.constant 9344 : index
    %swap3A_588 = vector.load %arg2[%swap3A_586, %swap3A_587] : memref<1x12800xf32, #tpu.memory_space<vmem>>, vector<1x64xf32>
    tpu.vector_store %arg2[%swap3A_586, %swap3A_587], %broadcast_in_dim3A_585 {strides = array<i32>} : memref<1x12800xf32, #tpu.memory_space<vmem>>, vector<1x64xf32>,
    %broadcast_in_dim3A_589 = vector.shape_cast %get3A_2 : vector<64xf32> to vector<1x64xf32>
    %swap3A_590 = arith.constant 0 : index
    %swap3A_591 = arith.constant 9408 : index
    %swap3A_592 = vector.load %arg2[%swap3A_590, %swap3A_591] : memref<1x12800xf32, #tpu.memory_space<vmem>>, vector<1x64xf32>
    tpu.vector_store %arg2[%swap3A_590, %swap3A_591], %broadcast_in_dim3A_589 {strides = array<i32>} : memref<1x12800xf32, #tpu.memory_space<vmem>>, vector<1x64xf32>,
    %broadcast_in_dim3A_593 = vector.shape_cast %get3A_2 : vector<64xf32> to vector<1x64xf32>
    %swap3A_594 = arith.constant 0 : index
    %swap3A_595 = arith.constant 9472 : index
    %swap3A_596 = vector.load %arg2[%swap3A_594, %swap3A_595] : memref<1x12800xf32, #tpu.memory_space<vmem>>, vector<1x64xf32>
    tpu.vector_store %arg2[%swap3A_594, %swap3A_595], %broadcast_in_dim3A_593 {strides = array<i32>} : memref<1x12800xf32, #tpu.memory_space<vmem>>, vector<1x64xf32>,
    %broadcast_in_dim3A_597 = vector.shape_cast %get3A_2 : vector<64xf32> to vector<1x64xf32>
    %swap3A_598 = arith.constant 0 : index
    %swap3A_599 = arith.constant 9536 : index
    %swap3A_600 = vector.load %arg2[%swap3A_598, %swap3A_599] : memref<1x12800xf32, #tpu.memory_space<vmem>>, vector<1x64xf32>
    tpu.vector_store %arg2[%swap3A_598, %swap3A_599], %broadcast_in_dim3A_597 {strides = array<i32>} : memref<1x12800xf32, #tpu.memory_space<vmem>>, vector<1x64xf32>,
    %broadcast_in_dim3A_601 = vector.shape_cast %get3A_2 : vector<64xf32> to vector<1x64xf32>
    %swap3A_602 = arith.constant 0 : index
    %swap3A_603 = arith.constant 9600 : index
    %swap3A_604 = vector.load %arg2[%swap3A_602, %swap3A_603] : memref<1x12800xf32, #tpu.memory_space<vmem>>, vector<1x64xf32>
    tpu.vector_store %arg2[%swap3A_602, %swap3A_603], %broadcast_in_dim3A_601 {strides = array<i32>} : memref<1x12800xf32, #tpu.memory_space<vmem>>, vector<1x64xf32>,
    %broadcast_in_dim3A_605 = vector.shape_cast %get3A_2 : vector<64xf32> to vector<1x64xf32>
    %swap3A_606 = arith.constant 0 : index
    %swap3A_607 = arith.constant 9664 : index
    %swap3A_608 = vector.load %arg2[%swap3A_606, %swap3A_607] : memref<1x12800xf32, #tpu.memory_space<vmem>>, vector<1x64xf32>
    tpu.vector_store %arg2[%swap3A_606, %swap3A_607], %broadcast_in_dim3A_605 {strides = array<i32>} : memref<1x12800xf32, #tpu.memory_space<vmem>>, vector<1x64xf32>,
    %broadcast_in_dim3A_609 = vector.shape_cast %get3A_2 : vector<64xf32> to vector<1x64xf32>
    %swap3A_610 = arith.constant 0 : index
    %swap3A_611 = arith.constant 9728 : index
    %swap3A_612 = vector.load %arg2[%swap3A_610, %swap3A_611] : memref<1x12800xf32, #tpu.memory_space<vmem>>, vector<1x64xf32>
    tpu.vector_store %arg2[%swap3A_610, %swap3A_611], %broadcast_in_dim3A_609 {strides = array<i32>} : memref<1x12800xf32, #tpu.memory_space<vmem>>, vector<1x64xf32>,
    %broadcast_in_dim3A_613 = vector.shape_cast %get3A_2 : vector<64xf32> to vector<1x64xf32>
    %swap3A_614 = arith.constant 0 : index
    %swap3A_615 = arith.constant 9792 : index
    %swap3A_616 = vector.load %arg2[%swap3A_614, %swap3A_615] : memref<1x12800xf32, #tpu.memory_space<vmem>>, vector<1x64xf32>
    tpu.vector_store %arg2[%swap3A_614, %swap3A_615], %broadcast_in_dim3A_613 {strides = array<i32>} : memref<1x12800xf32, #tpu.memory_space<vmem>>, vector<1x64xf32>,
    %broadcast_in_dim3A_617 = vector.shape_cast %get3A_2 : vector<64xf32> to vector<1x64xf32>
    %swap3A_618 = arith.constant 0 : index
    %swap3A_619 = arith.constant 9856 : index
    %swap3A_620 = vector.load %arg2[%swap3A_618, %swap3A_619] : memref<1x12800xf32, #tpu.memory_space<vmem>>, vector<1x64xf32>
    tpu.vector_store %arg2[%swap3A_618, %swap3A_619], %broadcast_in_dim3A_617 {strides = array<i32>} : memref<1x12800xf32, #tpu.memory_space<vmem>>, vector<1x64xf32>,
    %broadcast_in_dim3A_621 = vector.shape_cast %get3A_2 : vector<64xf32> to vector<1x64xf32>
    %swap3A_622 = arith.constant 0 : index
    %swap3A_623 = arith.constant 9920 : index
    %swap3A_624 = vector.load %arg2[%swap3A_622, %swap3A_623] : memref<1x12800xf32, #tpu.memory_space<vmem>>, vector<1x64xf32>
    tpu.vector_store %arg2[%swap3A_622, %swap3A_623], %broadcast_in_dim3A_621 {strides = array<i32>} : memref<1x12800xf32, #tpu.memory_space<vmem>>, vector<1x64xf32>,
    %broadcast_in_dim3A_625 = vector.shape_cast %get3A_2 : vector<64xf32> to vector<1x64xf32>
    %swap3A_626 = arith.constant 0 : index
    %swap3A_627 = arith.constant 9984 : index
    %swap3A_628 = vector.load %arg2[%swap3A_626, %swap3A_627] : memref<1x12800xf32, #tpu.memory_space<vmem>>, vector<1x64xf32>
    tpu.vector_store %arg2[%swap3A_626, %swap3A_627], %broadcast_in_dim3A_625 {strides = array<i32>} : memref<1x12800xf32, #tpu.memory_space<vmem>>, vector<1x64xf32>,
    %broadcast_in_dim3A_629 = vector.shape_cast %get3A_2 : vector<64xf32> to vector<1x64xf32>
    %swap3A_630 = arith.constant 0 : index
    %swap3A_631 = arith.constant 10048 : index
    %swap3A_632 = vector.load %arg2[%swap3A_630, %swap3A_631] : memref<1x12800xf32, #tpu.memory_space<vmem>>, vector<1x64xf32>
    tpu.vector_store %arg2[%swap3A_630, %swap3A_631], %broadcast_in_dim3A_629 {strides = array<i32>} : memref<1x12800xf32, #tpu.memory_space<vmem>>, vector<1x64xf32>,
    %broadcast_in_dim3A_633 = vector.shape_cast %get3A_2 : vector<64xf32> to vector<1x64xf32>
    %swap3A_634 = arith.constant 0 : index
    %swap3A_635 = arith.constant 10112 : index
    %swap3A_636 = vector.load %arg2[%swap3A_634, %swap3A_635] : memref<1x12800xf32, #tpu.memory_space<vmem>>, vector<1x64xf32>
    tpu.vector_store %arg2[%swap3A_634, %swap3A_635], %broadcast_in_dim3A_633 {strides = array<i32>} : memref<1x12800xf32, #tpu.memory_space<vmem>>, vector<1x64xf32>,
    %broadcast_in_dim3A_637 = vector.shape_cast %get3A_2 : vector<64xf32> to vector<1x64xf32>
    %swap3A_638 = arith.constant 0 : index
    %swap3A_639 = arith.constant 10176 : index
    %swap3A_640 = vector.load %arg2[%swap3A_638, %swap3A_639] : memref<1x12800xf32, #tpu.memory_space<vmem>>, vector<1x64xf32>
    tpu.vector_store %arg2[%swap3A_638, %swap3A_639], %broadcast_in_dim3A_637 {strides = array<i32>} : memref<1x12800xf32, #tpu.memory_space<vmem>>, vector<1x64xf32>,
    %broadcast_in_dim3A_641 = vector.shape_cast %get3A_2 : vector<64xf32> to vector<1x64xf32>
    %swap3A_642 = arith.constant 0 : index
    %swap3A_643 = arith.constant 10240 : index
    %swap3A_644 = vector.load %arg2[%swap3A_642, %swap3A_643] : memref<1x12800xf32, #tpu.memory_space<vmem>>, vector<1x64xf32>
    tpu.vector_store %arg2[%swap3A_642, %swap3A_643], %broadcast_in_dim3A_641 {strides = array<i32>} : memref<1x12800xf32, #tpu.memory_space<vmem>>, vector<1x64xf32>,
    %broadcast_in_dim3A_645 = vector.shape_cast %get3A_2 : vector<64xf32> to vector<1x64xf32>
    %swap3A_646 = arith.constant 0 : index
    %swap3A_647 = arith.constant 10304 : index
    %swap3A_648 = vector.load %arg2[%swap3A_646, %swap3A_647] : memref<1x12800xf32, #tpu.memory_space<vmem>>, vector<1x64xf32>
    tpu.vector_store %arg2[%swap3A_646, %swap3A_647], %broadcast_in_dim3A_645 {strides = array<i32>} : memref<1x12800xf32, #tpu.memory_space<vmem>>, vector<1x64xf32>,
    %broadcast_in_dim3A_649 = vector.shape_cast %get3A_2 : vector<64xf32> to vector<1x64xf32>
    %swap3A_650 = arith.constant 0 : index
    %swap3A_651 = arith.constant 10368 : index
    %swap3A_652 = vector.load %arg2[%swap3A_650, %swap3A_651] : memref<1x12800xf32, #tpu.memory_space<vmem>>, vector<1x64xf32>
    tpu.vector_store %arg2[%swap3A_650, %swap3A_651], %broadcast_in_dim3A_649 {strides = array<i32>} : memref<1x12800xf32, #tpu.memory_space<vmem>>, vector<1x64xf32>,
    %broadcast_in_dim3A_653 = vector.shape_cast %get3A_2 : vector<64xf32> to vector<1x64xf32>
    %swap3A_654 = arith.constant 0 : index
    %swap3A_655 = arith.constant 10432 : index
    %swap3A_656 = vector.load %arg2[%swap3A_654, %swap3A_655] : memref<1x12800xf32, #tpu.memory_space<vmem>>, vector<1x64xf32>
    tpu.vector_store %arg2[%swap3A_654, %swap3A_655], %broadcast_in_dim3A_653 {strides = array<i32>} : memref<1x12800xf32, #tpu.memory_space<vmem>>, vector<1x64xf32>,
    %broadcast_in_dim3A_657 = vector.shape_cast %get3A_2 : vector<64xf32> to vector<1x64xf32>
    %swap3A_658 = arith.constant 0 : index
    %swap3A_659 = arith.constant 10496 : index
    %swap3A_660 = vector.load %arg2[%swap3A_658, %swap3A_659] : memref<1x12800xf32, #tpu.memory_space<vmem>>, vector<1x64xf32>
    tpu.vector_store %arg2[%swap3A_658, %swap3A_659], %broadcast_in_dim3A_657 {strides = array<i32>} : memref<1x12800xf32, #tpu.memory_space<vmem>>, vector<1x64xf32>,
    %broadcast_in_dim3A_661 = vector.shape_cast %get3A_2 : vector<64xf32> to vector<1x64xf32>
    %swap3A_662 = arith.constant 0 : index
    %swap3A_663 = arith.constant 10560 : index
    %swap3A_664 = vector.load %arg2[%swap3A_662, %swap3A_663] : memref<1x12800xf32, #tpu.memory_space<vmem>>, vector<1x64xf32>
    tpu.vector_store %arg2[%swap3A_662, %swap3A_663], %broadcast_in_dim3A_661 {strides = array<i32>} : memref<1x12800xf32, #tpu.memory_space<vmem>>, vector<1x64xf32>,
    %broadcast_in_dim3A_665 = vector.shape_cast %get3A_2 : vector<64xf32> to vector<1x64xf32>
    %swap3A_666 = arith.constant 0 : index
    %swap3A_667 = arith.constant 10624 : index
    %swap3A_668 = vector.load %arg2[%swap3A_666, %swap3A_667] : memref<1x12800xf32, #tpu.memory_space<vmem>>, vector<1x64xf32>
    tpu.vector_store %arg2[%swap3A_666, %swap3A_667], %broadcast_in_dim3A_665 {strides = array<i32>} : memref<1x12800xf32, #tpu.memory_space<vmem>>, vector<1x64xf32>,
    %broadcast_in_dim3A_669 = vector.shape_cast %get3A_2 : vector<64xf32> to vector<1x64xf32>
    %swap3A_670 = arith.constant 0 : index
    %swap3A_671 = arith.constant 10688 : index
    %swap3A_672 = vector.load %arg2[%swap3A_670, %swap3A_671] : memref<1x12800xf32, #tpu.memory_space<vmem>>, vector<1x64xf32>
    tpu.vector_store %arg2[%swap3A_670, %swap3A_671], %broadcast_in_dim3A_669 {strides = array<i32>} : memref<1x12800xf32, #tpu.memory_space<vmem>>, vector<1x64xf32>,
    %broadcast_in_dim3A_673 = vector.shape_cast %get3A_2 : vector<64xf32> to vector<1x64xf32>
    %swap3A_674 = arith.constant 0 : index
    %swap3A_675 = arith.constant 10752 : index
    %swap3A_676 = vector.load %arg2[%swap3A_674, %swap3A_675] : memref<1x12800xf32, #tpu.memory_space<vmem>>, vector<1x64xf32>
    tpu.vector_store %arg2[%swap3A_674, %swap3A_675], %broadcast_in_dim3A_673 {strides = array<i32>} : memref<1x12800xf32, #tpu.memory_space<vmem>>, vector<1x64xf32>,
    %broadcast_in_dim3A_677 = vector.shape_cast %get3A_2 : vector<64xf32> to vector<1x64xf32>
    %swap3A_678 = arith.constant 0 : index
    %swap3A_679 = arith.constant 10816 : index
    %swap3A_680 = vector.load %arg2[%swap3A_678, %swap3A_679] : memref<1x12800xf32, #tpu.memory_space<vmem>>, vector<1x64xf32>
    tpu.vector_store %arg2[%swap3A_678, %swap3A_679], %broadcast_in_dim3A_677 {strides = array<i32>} : memref<1x12800xf32, #tpu.memory_space<vmem>>, vector<1x64xf32>,
    %broadcast_in_dim3A_681 = vector.shape_cast %get3A_2 : vector<64xf32> to vector<1x64xf32>
    %swap3A_682 = arith.constant 0 : index
    %swap3A_683 = arith.constant 10880 : index
    %swap3A_684 = vector.load %arg2[%swap3A_682, %swap3A_683] : memref<1x12800xf32, #tpu.memory_space<vmem>>, vector<1x64xf32>
    tpu.vector_store %arg2[%swap3A_682, %swap3A_683], %broadcast_in_dim3A_681 {strides = array<i32>} : memref<1x12800xf32, #tpu.memory_space<vmem>>, vector<1x64xf32>,
    %broadcast_in_dim3A_685 = vector.shape_cast %get3A_2 : vector<64xf32> to vector<1x64xf32>
    %swap3A_686 = arith.constant 0 : index
    %swap3A_687 = arith.constant 10944 : index
    %swap3A_688 = vector.load %arg2[%swap3A_686, %swap3A_687] : memref<1x12800xf32, #tpu.memory_space<vmem>>, vector<1x64xf32>
    tpu.vector_store %arg2[%swap3A_686, %swap3A_687], %broadcast_in_dim3A_685 {strides = array<i32>} : memref<1x12800xf32, #tpu.memory_space<vmem>>, vector<1x64xf32>,
    %broadcast_in_dim3A_689 = vector.shape_cast %get3A_2 : vector<64xf32> to vector<1x64xf32>
    %swap3A_690 = arith.constant 0 : index
    %swap3A_691 = arith.constant 11008 : index
    %swap3A_692 = vector.load %arg2[%swap3A_690, %swap3A_691] : memref<1x12800xf32, #tpu.memory_space<vmem>>, vector<1x64xf32>
    tpu.vector_store %arg2[%swap3A_690, %swap3A_691], %broadcast_in_dim3A_689 {strides = array<i32>} : memref<1x12800xf32, #tpu.memory_space<vmem>>, vector<1x64xf32>,
    %broadcast_in_dim3A_693 = vector.shape_cast %get3A_2 : vector<64xf32> to vector<1x64xf32>
    %swap3A_694 = arith.constant 0 : index
    %swap3A_695 = arith.constant 11072 : index
    %swap3A_696 = vector.load %arg2[%swap3A_694, %swap3A_695] : memref<1x12800xf32, #tpu.memory_space<vmem>>, vector<1x64xf32>
    tpu.vector_store %arg2[%swap3A_694, %swap3A_695], %broadcast_in_dim3A_693 {strides = array<i32>} : memref<1x12800xf32, #tpu.memory_space<vmem>>, vector<1x64xf32>,
    %broadcast_in_dim3A_697 = vector.shape_cast %get3A_2 : vector<64xf32> to vector<1x64xf32>
    %swap3A_698 = arith.constant 0 : index
    %swap3A_699 = arith.constant 11136 : index
    %swap3A_700 = vector.load %arg2[%swap3A_698, %swap3A_699] : memref<1x12800xf32, #tpu.memory_space<vmem>>, vector<1x64xf32>
    tpu.vector_store %arg2[%swap3A_698, %swap3A_699], %broadcast_in_dim3A_697 {strides = array<i32>} : memref<1x12800xf32, #tpu.memory_space<vmem>>, vector<1x64xf32>,
    %broadcast_in_dim3A_701 = vector.shape_cast %get3A_2 : vector<64xf32> to vector<1x64xf32>
    %swap3A_702 = arith.constant 0 : index
    %swap3A_703 = arith.constant 11200 : index
    %swap3A_704 = vector.load %arg2[%swap3A_702, %swap3A_703] : memref<1x12800xf32, #tpu.memory_space<vmem>>, vector<1x64xf32>
    tpu.vector_store %arg2[%swap3A_702, %swap3A_703], %broadcast_in_dim3A_701 {strides = array<i32>} : memref<1x12800xf32, #tpu.memory_space<vmem>>, vector<1x64xf32>,
    %broadcast_in_dim3A_705 = vector.shape_cast %get3A_2 : vector<64xf32> to vector<1x64xf32>
    %swap3A_706 = arith.constant 0 : index
    %swap3A_707 = arith.constant 11264 : index
    %swap3A_708 = vector.load %arg2[%swap3A_706, %swap3A_707] : memref<1x12800xf32, #tpu.memory_space<vmem>>, vector<1x64xf32>
    tpu.vector_store %arg2[%swap3A_706, %swap3A_707], %broadcast_in_dim3A_705 {strides = array<i32>} : memref<1x12800xf32, #tpu.memory_space<vmem>>, vector<1x64xf32>,
    %broadcast_in_dim3A_709 = vector.shape_cast %get3A_2 : vector<64xf32> to vector<1x64xf32>
    %swap3A_710 = arith.constant 0 : index
    %swap3A_711 = arith.constant 11328 : index
    %swap3A_712 = vector.load %arg2[%swap3A_710, %swap3A_711] : memref<1x12800xf32, #tpu.memory_space<vmem>>, vector<1x64xf32>
    tpu.vector_store %arg2[%swap3A_710, %swap3A_711], %broadcast_in_dim3A_709 {strides = array<i32>} : memref<1x12800xf32, #tpu.memory_space<vmem>>, vector<1x64xf32>,
    %broadcast_in_dim3A_713 = vector.shape_cast %get3A_2 : vector<64xf32> to vector<1x64xf32>
    %swap3A_714 = arith.constant 0 : index
    %swap3A_715 = arith.constant 11392 : index
    %swap3A_716 = vector.load %arg2[%swap3A_714, %swap3A_715] : memref<1x12800xf32, #tpu.memory_space<vmem>>, vector<1x64xf32>
    tpu.vector_store %arg2[%swap3A_714, %swap3A_715], %broadcast_in_dim3A_713 {strides = array<i32>} : memref<1x12800xf32, #tpu.memory_space<vmem>>, vector<1x64xf32>,
    %broadcast_in_dim3A_717 = vector.shape_cast %get3A_2 : vector<64xf32> to vector<1x64xf32>
    %swap3A_718 = arith.constant 0 : index
    %swap3A_719 = arith.constant 11456 : index
    %swap3A_720 = vector.load %arg2[%swap3A_718, %swap3A_719] : memref<1x12800xf32, #tpu.memory_space<vmem>>, vector<1x64xf32>
    tpu.vector_store %arg2[%swap3A_718, %swap3A_719], %broadcast_in_dim3A_717 {strides = array<i32>} : memref<1x12800xf32, #tpu.memory_space<vmem>>, vector<1x64xf32>,
    %broadcast_in_dim3A_721 = vector.shape_cast %get3A_2 : vector<64xf32> to vector<1x64xf32>
    %swap3A_722 = arith.constant 0 : index
    %swap3A_723 = arith.constant 11520 : index
    %swap3A_724 = vector.load %arg2[%swap3A_722, %swap3A_723] : memref<1x12800xf32, #tpu.memory_space<vmem>>, vector<1x64xf32>
    tpu.vector_store %arg2[%swap3A_722, %swap3A_723], %broadcast_in_dim3A_721 {strides = array<i32>} : memref<1x12800xf32, #tpu.memory_space<vmem>>, vector<1x64xf32>,
    %broadcast_in_dim3A_725 = vector.shape_cast %get3A_2 : vector<64xf32> to vector<1x64xf32>
    %swap3A_726 = arith.constant 0 : index
    %swap3A_727 = arith.constant 11584 : index
    %swap3A_728 = vector.load %arg2[%swap3A_726, %swap3A_727] : memref<1x12800xf32, #tpu.memory_space<vmem>>, vector<1x64xf32>
    tpu.vector_store %arg2[%swap3A_726, %swap3A_727], %broadcast_in_dim3A_725 {strides = array<i32>} : memref<1x12800xf32, #tpu.memory_space<vmem>>, vector<1x64xf32>,
    %broadcast_in_dim3A_729 = vector.shape_cast %get3A_2 : vector<64xf32> to vector<1x64xf32>
    %swap3A_730 = arith.constant 0 : index
    %swap3A_731 = arith.constant 11648 : index
    %swap3A_732 = vector.load %arg2[%swap3A_730, %swap3A_731] : memref<1x12800xf32, #tpu.memory_space<vmem>>, vector<1x64xf32>
    tpu.vector_store %arg2[%swap3A_730, %swap3A_731], %broadcast_in_dim3A_729 {strides = array<i32>} : memref<1x12800xf32, #tpu.memory_space<vmem>>, vector<1x64xf32>,
    %broadcast_in_dim3A_733 = vector.shape_cast %get3A_2 : vector<64xf32> to vector<1x64xf32>
    %swap3A_734 = arith.constant 0 : index
    %swap3A_735 = arith.constant 11712 : index
    %swap3A_736 = vector.load %arg2[%swap3A_734, %swap3A_735] : memref<1x12800xf32, #tpu.memory_space<vmem>>, vector<1x64xf32>
    tpu.vector_store %arg2[%swap3A_734, %swap3A_735], %broadcast_in_dim3A_733 {strides = array<i32>} : memref<1x12800xf32, #tpu.memory_space<vmem>>, vector<1x64xf32>,
    %broadcast_in_dim3A_737 = vector.shape_cast %get3A_2 : vector<64xf32> to vector<1x64xf32>
    %swap3A_738 = arith.constant 0 : index
    %swap3A_739 = arith.constant 11776 : index
    %swap3A_740 = vector.load %arg2[%swap3A_738, %swap3A_739] : memref<1x12800xf32, #tpu.memory_space<vmem>>, vector<1x64xf32>
    tpu.vector_store %arg2[%swap3A_738, %swap3A_739], %broadcast_in_dim3A_737 {strides = array<i32>} : memref<1x12800xf32, #tpu.memory_space<vmem>>, vector<1x64xf32>,
    %broadcast_in_dim3A_741 = vector.shape_cast %get3A_2 : vector<64xf32> to vector<1x64xf32>
    %swap3A_742 = arith.constant 0 : index
    %swap3A_743 = arith.constant 11840 : index
    %swap3A_744 = vector.load %arg2[%swap3A_742, %swap3A_743] : memref<1x12800xf32, #tpu.memory_space<vmem>>, vector<1x64xf32>
    tpu.vector_store %arg2[%swap3A_742, %swap3A_743], %broadcast_in_dim3A_741 {strides = array<i32>} : memref<1x12800xf32, #tpu.memory_space<vmem>>, vector<1x64xf32>,
    %broadcast_in_dim3A_745 = vector.shape_cast %get3A_2 : vector<64xf32> to vector<1x64xf32>
    %swap3A_746 = arith.constant 0 : index
    %swap3A_747 = arith.constant 11904 : index
    %swap3A_748 = vector.load %arg2[%swap3A_746, %swap3A_747] : memref<1x12800xf32, #tpu.memory_space<vmem>>, vector<1x64xf32>
    tpu.vector_store %arg2[%swap3A_746, %swap3A_747], %broadcast_in_dim3A_745 {strides = array<i32>} : memref<1x12800xf32, #tpu.memory_space<vmem>>, vector<1x64xf32>,
    %broadcast_in_dim3A_749 = vector.shape_cast %get3A_2 : vector<64xf32> to vector<1x64xf32>
    %swap3A_750 = arith.constant 0 : index
    %swap3A_751 = arith.constant 11968 : index
    %swap3A_752 = vector.load %arg2[%swap3A_750, %swap3A_751] : memref<1x12800xf32, #tpu.memory_space<vmem>>, vector<1x64xf32>
    tpu.vector_store %arg2[%swap3A_750, %swap3A_751], %broadcast_in_dim3A_749 {strides = array<i32>} : memref<1x12800xf32, #tpu.memory_space<vmem>>, vector<1x64xf32>,
    %broadcast_in_dim3A_753 = vector.shape_cast %get3A_2 : vector<64xf32> to vector<1x64xf32>
    %swap3A_754 = arith.constant 0 : index
    %swap3A_755 = arith.constant 12032 : index
    %swap3A_756 = vector.load %arg2[%swap3A_754, %swap3A_755] : memref<1x12800xf32, #tpu.memory_space<vmem>>, vector<1x64xf32>
    tpu.vector_store %arg2[%swap3A_754, %swap3A_755], %broadcast_in_dim3A_753 {strides = array<i32>} : memref<1x12800xf32, #tpu.memory_space<vmem>>, vector<1x64xf32>,
    %broadcast_in_dim3A_757 = vector.shape_cast %get3A_2 : vector<64xf32> to vector<1x64xf32>
    %swap3A_758 = arith.constant 0 : index
    %swap3A_759 = arith.constant 12096 : index
    %swap3A_760 = vector.load %arg2[%swap3A_758, %swap3A_759] : memref<1x12800xf32, #tpu.memory_space<vmem>>, vector<1x64xf32>
    tpu.vector_store %arg2[%swap3A_758, %swap3A_759], %broadcast_in_dim3A_757 {strides = array<i32>} : memref<1x12800xf32, #tpu.memory_space<vmem>>, vector<1x64xf32>,
    %broadcast_in_dim3A_761 = vector.shape_cast %get3A_2 : vector<64xf32> to vector<1x64xf32>
    %swap3A_762 = arith.constant 0 : index
    %swap3A_763 = arith.constant 12160 : index
    %swap3A_764 = vector.load %arg2[%swap3A_762, %swap3A_763] : memref<1x12800xf32, #tpu.memory_space<vmem>>, vector<1x64xf32>
    tpu.vector_store %arg2[%swap3A_762, %swap3A_763], %broadcast_in_dim3A_761 {strides = array<i32>} : memref<1x12800xf32, #tpu.memory_space<vmem>>, vector<1x64xf32>,
    %broadcast_in_dim3A_765 = vector.shape_cast %get3A_2 : vector<64xf32> to vector<1x64xf32>
    %swap3A_766 = arith.constant 0 : index
    %swap3A_767 = arith.constant 12224 : index
    %swap3A_768 = vector.load %arg2[%swap3A_766, %swap3A_767] : memref<1x12800xf32, #tpu.memory_space<vmem>>, vector<1x64xf32>
    tpu.vector_store %arg2[%swap3A_766, %swap3A_767], %broadcast_in_dim3A_765 {strides = array<i32>} : memref<1x12800xf32, #tpu.memory_space<vmem>>, vector<1x64xf32>,
    %broadcast_in_dim3A_769 = vector.shape_cast %get3A_2 : vector<64xf32> to vector<1x64xf32>
    %swap3A_770 = arith.constant 0 : index
    %swap3A_771 = arith.constant 12288 : index
    %swap3A_772 = vector.load %arg2[%swap3A_770, %swap3A_771] : memref<1x12800xf32, #tpu.memory_space<vmem>>, vector<1x64xf32>
    tpu.vector_store %arg2[%swap3A_770, %swap3A_771], %broadcast_in_dim3A_769 {strides = array<i32>} : memref<1x12800xf32, #tpu.memory_space<vmem>>, vector<1x64xf32>,
    %broadcast_in_dim3A_773 = vector.shape_cast %get3A_2 : vector<64xf32> to vector<1x64xf32>
    %swap3A_774 = arith.constant 0 : index
    %swap3A_775 = arith.constant 12352 : index
    %swap3A_776 = vector.load %arg2[%swap3A_774, %swap3A_775] : memref<1x12800xf32, #tpu.memory_space<vmem>>, vector<1x64xf32>
    tpu.vector_store %arg2[%swap3A_774, %swap3A_775], %broadcast_in_dim3A_773 {strides = array<i32>} : memref<1x12800xf32, #tpu.memory_space<vmem>>, vector<1x64xf32>,
    %broadcast_in_dim3A_777 = vector.shape_cast %get3A_2 : vector<64xf32> to vector<1x64xf32>
    %swap3A_778 = arith.constant 0 : index
    %swap3A_779 = arith.constant 12416 : index
    %swap3A_780 = vector.load %arg2[%swap3A_778, %swap3A_779] : memref<1x12800xf32, #tpu.memory_space<vmem>>, vector<1x64xf32>
    tpu.vector_store %arg2[%swap3A_778, %swap3A_779], %broadcast_in_dim3A_777 {strides = array<i32>} : memref<1x12800xf32, #tpu.memory_space<vmem>>, vector<1x64xf32>,
    %broadcast_in_dim3A_781 = vector.shape_cast %get3A_2 : vector<64xf32> to vector<1x64xf32>
    %swap3A_782 = arith.constant 0 : index
    %swap3A_783 = arith.constant 12480 : index
    %swap3A_784 = vector.load %arg2[%swap3A_782, %swap3A_783] : memref<1x12800xf32, #tpu.memory_space<vmem>>, vector<1x64xf32>
    tpu.vector_store %arg2[%swap3A_782, %swap3A_783], %broadcast_in_dim3A_781 {strides = array<i32>} : memref<1x12800xf32, #tpu.memory_space<vmem>>, vector<1x64xf32>,
    %broadcast_in_dim3A_785 = vector.shape_cast %get3A_2 : vector<64xf32> to vector<1x64xf32>
    %swap3A_786 = arith.constant 0 : index
    %swap3A_787 = arith.constant 12544 : index
    %swap3A_788 = vector.load %arg2[%swap3A_786, %swap3A_787] : memref<1x12800xf32, #tpu.memory_space<vmem>>, vector<1x64xf32>
    tpu.vector_store %arg2[%swap3A_786, %swap3A_787], %broadcast_in_dim3A_785 {strides = array<i32>} : memref<1x12800xf32, #tpu.memory_space<vmem>>, vector<1x64xf32>,
    %broadcast_in_dim3A_789 = vector.shape_cast %get3A_2 : vector<64xf32> to vector<1x64xf32>
    %swap3A_790 = arith.constant 0 : index
    %swap3A_791 = arith.constant 12608 : index
    %swap3A_792 = vector.load %arg2[%swap3A_790, %swap3A_791] : memref<1x12800xf32, #tpu.memory_space<vmem>>, vector<1x64xf32>
    tpu.vector_store %arg2[%swap3A_790, %swap3A_791], %broadcast_in_dim3A_789 {strides = array<i32>} : memref<1x12800xf32, #tpu.memory_space<vmem>>, vector<1x64xf32>,
    %broadcast_in_dim3A_793 = vector.shape_cast %get3A_2 : vector<64xf32> to vector<1x64xf32>
    %swap3A_794 = arith.constant 0 : index
    %swap3A_795 = arith.constant 12672 : index
    %swap3A_796 = vector.load %arg2[%swap3A_794, %swap3A_795] : memref<1x12800xf32, #tpu.memory_space<vmem>>, vector<1x64xf32>
    tpu.vector_store %arg2[%swap3A_794, %swap3A_795], %broadcast_in_dim3A_793 {strides = array<i32>} : memref<1x12800xf32, #tpu.memory_space<vmem>>, vector<1x64xf32>,
    %broadcast_in_dim3A_797 = vector.shape_cast %get3A_2 : vector<64xf32> to vector<1x64xf32>
    %swap3A_798 = arith.constant 0 : index
    %swap3A_799 = arith.constant 12736 : index
    %swap3A_800 = vector.load %arg2[%swap3A_798, %swap3A_799] : memref<1x12800xf32, #tpu.memory_space<vmem>>, vector<1x64xf32>
    tpu.vector_store %arg2[%swap3A_798, %swap3A_799], %broadcast_in_dim3A_797 {strides = array<i32>} : memref<1x12800xf32, #tpu.memory_space<vmem>>, vector<1x64xf32>,
    %get3A_801 = arith.constant 0 : index
    %get3A_802 = arith.constant 0 : index
    %get3A_803 = vector.load %arg2[%get3A_801, %get3A_802] : memref<1x12800xf32, #tpu.memory_space<vmem>>, vector<1x12800xf32>
    %broadcast_in_dim3A_804 = vector.shape_cast %get3A_803 : vector<1x12800xf32> to vector<1x12800xf32>
    %broadcast_in_dim3A_805 = vector.broadcast %broadcast_in_dim3A_804 : vector<1x12800xf32> to vector<256x12800xf32>
    %swap3A_806 = arith.constant 0 : index
    %swap3A_807 = arith.constant 0 : index
    %swap3A_808 = vector.load %arg3[%swap3A_806, %swap3A_807] : memref<256x12800xf32, #tpu.memory_space<vmem>>, vector<256x12800xf32>
    tpu.vector_store %arg3[%swap3A_806, %swap3A_807], %broadcast_in_dim3A_805 {strides = array<i32>} : memref<256x12800xf32, #tpu.memory_space<vmem>>, vector<256x12800xf32>,
    %dma_start3A = arith.constant 0 : i32
    %dma_start3A_809 = tpu.memref_slice %arg4[%dma_start3A] : memref<11x!tpu.dma_semaphore, #tpu.memory_space<semaphore_mem>> -> memref<1x!tpu.dma_semaphore, #tpu.memory_space<semaphore_mem>>
    %dma_start3A_810 = tpu.memref_squeeze %dma_start3A_809 : memref<1x!tpu.dma_semaphore, #tpu.memory_space<semaphore_mem>> -> memref<!tpu.dma_semaphore, #tpu.memory_space<semaphore_mem>>
    %dma_start3A_811 = arith.constant 0 : i32
    %dma_start3A_812 = arith.constant 0 : i32
    %dma_start3A_813 = tpu.memref_slice %arg1[%dma_start3A_811, %dma_start3A_812] : memref<2816x12800xf32, #tpu.memory_space<hbm>> -> memref<256x12800xf32, #tpu.memory_space<hbm>>
    tpu.enqueue_dma source(%arg3 : memref<256x12800xf32, #tpu.memory_space<vmem>>) target(%dma_start3A_813 : memref<256x12800xf32, #tpu.memory_space<hbm>>) target_semaphore(%dma_start3A_810 : memref<!tpu.dma_semaphore, #tpu.memory_space<semaphore_mem>>)
    %dma_start3A_814 = arith.constant 1 : i32
    %dma_start3A_815 = tpu.memref_slice %arg4[%dma_start3A_814] : memref<11x!tpu.dma_semaphore, #tpu.memory_space<semaphore_mem>> -> memref<1x!tpu.dma_semaphore, #tpu.memory_space<semaphore_mem>>
    %dma_start3A_816 = tpu.memref_squeeze %dma_start3A_815 : memref<1x!tpu.dma_semaphore, #tpu.memory_space<semaphore_mem>> -> memref<!tpu.dma_semaphore, #tpu.memory_space<semaphore_mem>>
    %dma_start3A_817 = arith.constant 256 : i32
    %dma_start3A_818 = arith.constant 0 : i32
    %dma_start3A_819 = tpu.memref_slice %arg1[%dma_start3A_817, %dma_start3A_818] : memref<2816x12800xf32, #tpu.memory_space<hbm>> -> memref<256x12800xf32, #tpu.memory_space<hbm>>
    tpu.enqueue_dma source(%arg3 : memref<256x12800xf32, #tpu.memory_space<vmem>>) target(%dma_start3A_819 : memref<256x12800xf32, #tpu.memory_space<hbm>>) target_semaphore(%dma_start3A_816 : memref<!tpu.dma_semaphore, #tpu.memory_space<semaphore_mem>>)
    %dma_start3A_820 = arith.constant 2 : i32
    %dma_start3A_821 = tpu.memref_slice %arg4[%dma_start3A_820] : memref<11x!tpu.dma_semaphore, #tpu.memory_space<semaphore_mem>> -> memref<1x!tpu.dma_semaphore, #tpu.memory_space<semaphore_mem>>
    %dma_start3A_822 = tpu.memref_squeeze %dma_start3A_821 : memref<1x!tpu.dma_semaphore, #tpu.memory_space<semaphore_mem>> -> memref<!tpu.dma_semaphore, #tpu.memory_space<semaphore_mem>>
    %dma_start3A_823 = arith.constant 512 : i32
    %dma_start3A_824 = arith.constant 0 : i32
    %dma_start3A_825 = tpu.memref_slice %arg1[%dma_start3A_823, %dma_start3A_824] : memref<2816x12800xf32, #tpu.memory_space<hbm>> -> memref<256x12800xf32, #tpu.memory_space<hbm>>
    tpu.enqueue_dma source(%arg3 : memref<256x12800xf32, #tpu.memory_space<vmem>>) target(%dma_start3A_825 : memref<256x12800xf32, #tpu.memory_space<hbm>>) target_semaphore(%dma_start3A_822 : memref<!tpu.dma_semaphore, #tpu.memory_space<semaphore_mem>>)
    %dma_start3A_826 = arith.constant 3 : i32
    %dma_start3A_827 = tpu.memref_slice %arg4[%dma_start3A_826] : memref<11x!tpu.dma_semaphore, #tpu.memory_space<semaphore_mem>> -> memref<1x!tpu.dma_semaphore, #tpu.memory_space<semaphore_mem>>
    %dma_start3A_828 = tpu.memref_squeeze %dma_start3A_827 : memref<1x!tpu.dma_semaphore, #tpu.memory_space<semaphore_mem>> -> memref<!tpu.dma_semaphore, #tpu.memory_space<semaphore_mem>>
    %dma_start3A_829 = arith.constant 768 : i32
    %dma_start3A_830 = arith.constant 0 : i32
    %dma_start3A_831 = tpu.memref_slice %arg1[%dma_start3A_829, %dma_start3A_830] : memref<2816x12800xf32, #tpu.memory_space<hbm>> -> memref<256x12800xf32, #tpu.memory_space<hbm>>
    tpu.enqueue_dma source(%arg3 : memref<256x12800xf32, #tpu.memory_space<vmem>>) target(%dma_start3A_831 : memref<256x12800xf32, #tpu.memory_space<hbm>>) target_semaphore(%dma_start3A_828 : memref<!tpu.dma_semaphore, #tpu.memory_space<semaphore_mem>>)
    %dma_start3A_832 = arith.constant 4 : i32
    %dma_start3A_833 = tpu.memref_slice %arg4[%dma_start3A_832] : memref<11x!tpu.dma_semaphore, #tpu.memory_space<semaphore_mem>> -> memref<1x!tpu.dma_semaphore, #tpu.memory_space<semaphore_mem>>
    %dma_start3A_834 = tpu.memref_squeeze %dma_start3A_833 : memref<1x!tpu.dma_semaphore, #tpu.memory_space<semaphore_mem>> -> memref<!tpu.dma_semaphore, #tpu.memory_space<semaphore_mem>>
    %dma_start3A_835 = arith.constant 1024 : i32
    %dma_start3A_836 = arith.constant 0 : i32
    %dma_start3A_837 = tpu.memref_slice %arg1[%dma_start3A_835, %dma_start3A_836] : memref<2816x12800xf32, #tpu.memory_space<hbm>> -> memref<256x12800xf32, #tpu.memory_space<hbm>>
    tpu.enqueue_dma source(%arg3 : memref<256x12800xf32, #tpu.memory_space<vmem>>) target(%dma_start3A_837 : memref<256x12800xf32, #tpu.memory_space<hbm>>) target_semaphore(%dma_start3A_834 : memref<!tpu.dma_semaphore, #tpu.memory_space<semaphore_mem>>)
    %dma_start3A_838 = arith.constant 5 : i32
    %dma_start3A_839 = tpu.memref_slice %arg4[%dma_start3A_838] : memref<11x!tpu.dma_semaphore, #tpu.memory_space<semaphore_mem>> -> memref<1x!tpu.dma_semaphore, #tpu.memory_space<semaphore_mem>>
    %dma_start3A_840 = tpu.memref_squeeze %dma_start3A_839 : memref<1x!tpu.dma_semaphore, #tpu.memory_space<semaphore_mem>> -> memref<!tpu.dma_semaphore, #tpu.memory_space<semaphore_mem>>
    %dma_start3A_841 = arith.constant 1280 : i32
    %dma_start3A_842 = arith.constant 0 : i32
    %dma_start3A_843 = tpu.memref_slice %arg1[%dma_start3A_841, %dma_start3A_842] : memref<2816x12800xf32, #tpu.memory_space<hbm>> -> memref<256x12800xf32, #tpu.memory_space<hbm>>
    tpu.enqueue_dma source(%arg3 : memref<256x12800xf32, #tpu.memory_space<vmem>>) target(%dma_start3A_843 : memref<256x12800xf32, #tpu.memory_space<hbm>>) target_semaphore(%dma_start3A_840 : memref<!tpu.dma_semaphore, #tpu.memory_space<semaphore_mem>>)
    %dma_start3A_844 = arith.constant 6 : i32
    %dma_start3A_845 = tpu.memref_slice %arg4[%dma_start3A_844] : memref<11x!tpu.dma_semaphore, #tpu.memory_space<semaphore_mem>> -> memref<1x!tpu.dma_semaphore, #tpu.memory_space<semaphore_mem>>
    %dma_start3A_846 = tpu.memref_squeeze %dma_start3A_845 : memref<1x!tpu.dma_semaphore, #tpu.memory_space<semaphore_mem>> -> memref<!tpu.dma_semaphore, #tpu.memory_space<semaphore_mem>>
    %dma_start3A_847 = arith.constant 1536 : i32
    %dma_start3A_848 = arith.constant 0 : i32
    %dma_start3A_849 = tpu.memref_slice %arg1[%dma_start3A_847, %dma_start3A_848] : memref<2816x12800xf32, #tpu.memory_space<hbm>> -> memref<256x12800xf32, #tpu.memory_space<hbm>>
    tpu.enqueue_dma source(%arg3 : memref<256x12800xf32, #tpu.memory_space<vmem>>) target(%dma_start3A_849 : memref<256x12800xf32, #tpu.memory_space<hbm>>) target_semaphore(%dma_start3A_846 : memref<!tpu.dma_semaphore, #tpu.memory_space<semaphore_mem>>)
    %dma_start3A_850 = arith.constant 7 : i32
    %dma_start3A_851 = tpu.memref_slice %arg4[%dma_start3A_850] : memref<11x!tpu.dma_semaphore, #tpu.memory_space<semaphore_mem>> -> memref<1x!tpu.dma_semaphore, #tpu.memory_space<semaphore_mem>>
    %dma_start3A_852 = tpu.memref_squeeze %dma_start3A_851 : memref<1x!tpu.dma_semaphore, #tpu.memory_space<semaphore_mem>> -> memref<!tpu.dma_semaphore, #tpu.memory_space<semaphore_mem>>
    %dma_start3A_853 = arith.constant 1792 : i32
    %dma_start3A_854 = arith.constant 0 : i32
    %dma_start3A_855 = tpu.memref_slice %arg1[%dma_start3A_853, %dma_start3A_854] : memref<2816x12800xf32, #tpu.memory_space<hbm>> -> memref<256x12800xf32, #tpu.memory_space<hbm>>
    tpu.enqueue_dma source(%arg3 : memref<256x12800xf32, #tpu.memory_space<vmem>>) target(%dma_start3A_855 : memref<256x12800xf32, #tpu.memory_space<hbm>>) target_semaphore(%dma_start3A_852 : memref<!tpu.dma_semaphore, #tpu.memory_space<semaphore_mem>>)
    %dma_start3A_856 = arith.constant 8 : i32
    %dma_start3A_857 = tpu.memref_slice %arg4[%dma_start3A_856] : memref<11x!tpu.dma_semaphore, #tpu.memory_space<semaphore_mem>> -> memref<1x!tpu.dma_semaphore, #tpu.memory_space<semaphore_mem>>
    %dma_start3A_858 = tpu.memref_squeeze %dma_start3A_857 : memref<1x!tpu.dma_semaphore, #tpu.memory_space<semaphore_mem>> -> memref<!tpu.dma_semaphore, #tpu.memory_space<semaphore_mem>>
    %dma_start3A_859 = arith.constant 2048 : i32
    %dma_start3A_860 = arith.constant 0 : i32
    %dma_start3A_861 = tpu.memref_slice %arg1[%dma_start3A_859, %dma_start3A_860] : memref<2816x12800xf32, #tpu.memory_space<hbm>> -> memref<256x12800xf32, #tpu.memory_space<hbm>>
    tpu.enqueue_dma source(%arg3 : memref<256x12800xf32, #tpu.memory_space<vmem>>) target(%dma_start3A_861 : memref<256x12800xf32, #tpu.memory_space<hbm>>) target_semaphore(%dma_start3A_858 : memref<!tpu.dma_semaphore, #tpu.memory_space<semaphore_mem>>)
    %dma_start3A_862 = arith.constant 9 : i32
    %dma_start3A_863 = tpu.memref_slice %arg4[%dma_start3A_862] : memref<11x!tpu.dma_semaphore, #tpu.memory_space<semaphore_mem>> -> memref<1x!tpu.dma_semaphore, #tpu.memory_space<semaphore_mem>>
    %dma_start3A_864 = tpu.memref_squeeze %dma_start3A_863 : memref<1x!tpu.dma_semaphore, #tpu.memory_space<semaphore_mem>> -> memref<!tpu.dma_semaphore, #tpu.memory_space<semaphore_mem>>
    %dma_start3A_865 = arith.constant 2304 : i32
    %dma_start3A_866 = arith.constant 0 : i32
    %dma_start3A_867 = tpu.memref_slice %arg1[%dma_start3A_865, %dma_start3A_866] : memref<2816x12800xf32, #tpu.memory_space<hbm>> -> memref<256x12800xf32, #tpu.memory_space<hbm>>
    tpu.enqueue_dma source(%arg3 : memref<256x12800xf32, #tpu.memory_space<vmem>>) target(%dma_start3A_867 : memref<256x12800xf32, #tpu.memory_space<hbm>>) target_semaphore(%dma_start3A_864 : memref<!tpu.dma_semaphore, #tpu.memory_space<semaphore_mem>>)
    %dma_start3A_868 = arith.constant 10 : i32
    %dma_start3A_869 = tpu.memref_slice %arg4[%dma_start3A_868] : memref<11x!tpu.dma_semaphore, #tpu.memory_space<semaphore_mem>> -> memref<1x!tpu.dma_semaphore, #tpu.memory_space<semaphore_mem>>
    %dma_start3A_870 = tpu.memref_squeeze %dma_start3A_869 : memref<1x!tpu.dma_semaphore, #tpu.memory_space<semaphore_mem>> -> memref<!tpu.dma_semaphore, #tpu.memory_space<semaphore_mem>>
    %dma_start3A_871 = arith.constant 2560 : i32
    %dma_start3A_872 = arith.constant 0 : i32
    %dma_start3A_873 = tpu.memref_slice %arg1[%dma_start3A_871, %dma_start3A_872] : memref<2816x12800xf32, #tpu.memory_space<hbm>> -> memref<256x12800xf32, #tpu.memory_space<hbm>>
    tpu.enqueue_dma source(%arg3 : memref<256x12800xf32, #tpu.memory_space<vmem>>) target(%dma_start3A_873 : memref<256x12800xf32, #tpu.memory_space<hbm>>) target_semaphore(%dma_start3A_870 : memref<!tpu.dma_semaphore, #tpu.memory_space<semaphore_mem>>)
    %dma_wait3A = arith.constant 0 : i32
    %dma_wait3A_874 = tpu.memref_slice %arg4[%dma_wait3A] : memref<11x!tpu.dma_semaphore, #tpu.memory_space<semaphore_mem>> -> memref<1x!tpu.dma_semaphore, #tpu.memory_space<semaphore_mem>>
    %dma_wait3A_875 = tpu.memref_squeeze %dma_wait3A_874 : memref<1x!tpu.dma_semaphore, #tpu.memory_space<semaphore_mem>> -> memref<!tpu.dma_semaphore, #tpu.memory_space<semaphore_mem>>
    %dma_wait3A_876 = arith.constant 0 : i32
    %dma_wait3A_877 = arith.constant 0 : i32
    %dma_wait3A_878 = tpu.memref_slice %arg1[%dma_wait3A_876, %dma_wait3A_877] : memref<2816x12800xf32, #tpu.memory_space<hbm>> -> memref<256x12800xf32, #tpu.memory_space<hbm>>
    tpu.wait_dma2 semaphore(%dma_wait3A_875 : memref<!tpu.dma_semaphore, #tpu.memory_space<semaphore_mem>>) src(%arg3 : memref<256x12800xf32, #tpu.memory_space<vmem>>) dst(%dma_wait3A_878 : memref<256x12800xf32, #tpu.memory_space<hbm>>)
    %dma_wait3A_879 = arith.constant 1 : i32
    %dma_wait3A_880 = tpu.memref_slice %arg4[%dma_wait3A_879] : memref<11x!tpu.dma_semaphore, #tpu.memory_space<semaphore_mem>> -> memref<1x!tpu.dma_semaphore, #tpu.memory_space<semaphore_mem>>
    %dma_wait3A_881 = tpu.memref_squeeze %dma_wait3A_880 : memref<1x!tpu.dma_semaphore, #tpu.memory_space<semaphore_mem>> -> memref<!tpu.dma_semaphore, #tpu.memory_space<semaphore_mem>>
    %dma_wait3A_882 = arith.constant 256 : i32
    %dma_wait3A_883 = arith.constant 0 : i32
    %dma_wait3A_884 = tpu.memref_slice %arg1[%dma_wait3A_882, %dma_wait3A_883] : memref<2816x12800xf32, #tpu.memory_space<hbm>> -> memref<256x12800xf32, #tpu.memory_space<hbm>>
    tpu.wait_dma2 semaphore(%dma_wait3A_881 : memref<!tpu.dma_semaphore, #tpu.memory_space<semaphore_mem>>) src(%arg3 : memref<256x12800xf32, #tpu.memory_space<vmem>>) dst(%dma_wait3A_884 : memref<256x12800xf32, #tpu.memory_space<hbm>>)
    %dma_wait3A_885 = arith.constant 2 : i32
    %dma_wait3A_886 = tpu.memref_slice %arg4[%dma_wait3A_885] : memref<11x!tpu.dma_semaphore, #tpu.memory_space<semaphore_mem>> -> memref<1x!tpu.dma_semaphore, #tpu.memory_space<semaphore_mem>>
    %dma_wait3A_887 = tpu.memref_squeeze %dma_wait3A_886 : memref<1x!tpu.dma_semaphore, #tpu.memory_space<semaphore_mem>> -> memref<!tpu.dma_semaphore, #tpu.memory_space<semaphore_mem>>
    %dma_wait3A_888 = arith.constant 512 : i32
    %dma_wait3A_889 = arith.constant 0 : i32
    %dma_wait3A_890 = tpu.memref_slice %arg1[%dma_wait3A_888, %dma_wait3A_889] : memref<2816x12800xf32, #tpu.memory_space<hbm>> -> memref<256x12800xf32, #tpu.memory_space<hbm>>
    tpu.wait_dma2 semaphore(%dma_wait3A_887 : memref<!tpu.dma_semaphore, #tpu.memory_space<semaphore_mem>>) src(%arg3 : memref<256x12800xf32, #tpu.memory_space<vmem>>) dst(%dma_wait3A_890 : memref<256x12800xf32, #tpu.memory_space<hbm>>)
    %dma_wait3A_891 = arith.constant 3 : i32
    %dma_wait3A_892 = tpu.memref_slice %arg4[%dma_wait3A_891] : memref<11x!tpu.dma_semaphore, #tpu.memory_space<semaphore_mem>> -> memref<1x!tpu.dma_semaphore, #tpu.memory_space<semaphore_mem>>
    %dma_wait3A_893 = tpu.memref_squeeze %dma_wait3A_892 : memref<1x!tpu.dma_semaphore, #tpu.memory_space<semaphore_mem>> -> memref<!tpu.dma_semaphore, #tpu.memory_space<semaphore_mem>>
    %dma_wait3A_894 = arith.constant 768 : i32
    %dma_wait3A_895 = arith.constant 0 : i32
    %dma_wait3A_896 = tpu.memref_slice %arg1[%dma_wait3A_894, %dma_wait3A_895] : memref<2816x12800xf32, #tpu.memory_space<hbm>> -> memref<256x12800xf32, #tpu.memory_space<hbm>>
    tpu.wait_dma2 semaphore(%dma_wait3A_893 : memref<!tpu.dma_semaphore, #tpu.memory_space<semaphore_mem>>) src(%arg3 : memref<256x12800xf32, #tpu.memory_space<vmem>>) dst(%dma_wait3A_896 : memref<256x12800xf32, #tpu.memory_space<hbm>>)
    %dma_wait3A_897 = arith.constant 4 : i32
    %dma_wait3A_898 = tpu.memref_slice %arg4[%dma_wait3A_897] : memref<11x!tpu.dma_semaphore, #tpu.memory_space<semaphore_mem>> -> memref<1x!tpu.dma_semaphore, #tpu.memory_space<semaphore_mem>>
    %dma_wait3A_899 = tpu.memref_squeeze %dma_wait3A_898 : memref<1x!tpu.dma_semaphore, #tpu.memory_space<semaphore_mem>> -> memref<!tpu.dma_semaphore, #tpu.memory_space<semaphore_mem>>
    %dma_wait3A_900 = arith.constant 1024 : i32
    %dma_wait3A_901 = arith.constant 0 : i32
    %dma_wait3A_902 = tpu.memref_slice %arg1[%dma_wait3A_900, %dma_wait3A_901] : memref<2816x12800xf32, #tpu.memory_space<hbm>> -> memref<256x12800xf32, #tpu.memory_space<hbm>>
    tpu.wait_dma2 semaphore(%dma_wait3A_899 : memref<!tpu.dma_semaphore, #tpu.memory_space<semaphore_mem>>) src(%arg3 : memref<256x12800xf32, #tpu.memory_space<vmem>>) dst(%dma_wait3A_902 : memref<256x12800xf32, #tpu.memory_space<hbm>>)
    %dma_wait3A_903 = arith.constant 5 : i32
    %dma_wait3A_904 = tpu.memref_slice %arg4[%dma_wait3A_903] : memref<11x!tpu.dma_semaphore, #tpu.memory_space<semaphore_mem>> -> memref<1x!tpu.dma_semaphore, #tpu.memory_space<semaphore_mem>>
    %dma_wait3A_905 = tpu.memref_squeeze %dma_wait3A_904 : memref<1x!tpu.dma_semaphore, #tpu.memory_space<semaphore_mem>> -> memref<!tpu.dma_semaphore, #tpu.memory_space<semaphore_mem>>
    %dma_wait3A_906 = arith.constant 1280 : i32
    %dma_wait3A_907 = arith.constant 0 : i32
    %dma_wait3A_908 = tpu.memref_slice %arg1[%dma_wait3A_906, %dma_wait3A_907] : memref<2816x12800xf32, #tpu.memory_space<hbm>> -> memref<256x12800xf32, #tpu.memory_space<hbm>>
    tpu.wait_dma2 semaphore(%dma_wait3A_905 : memref<!tpu.dma_semaphore, #tpu.memory_space<semaphore_mem>>) src(%arg3 : memref<256x12800xf32, #tpu.memory_space<vmem>>) dst(%dma_wait3A_908 : memref<256x12800xf32, #tpu.memory_space<hbm>>)
    %dma_wait3A_909 = arith.constant 6 : i32
    %dma_wait3A_910 = tpu.memref_slice %arg4[%dma_wait3A_909] : memref<11x!tpu.dma_semaphore, #tpu.memory_space<semaphore_mem>> -> memref<1x!tpu.dma_semaphore, #tpu.memory_space<semaphore_mem>>
    %dma_wait3A_911 = tpu.memref_squeeze %dma_wait3A_910 : memref<1x!tpu.dma_semaphore, #tpu.memory_space<semaphore_mem>> -> memref<!tpu.dma_semaphore, #tpu.memory_space<semaphore_mem>>
    %dma_wait3A_912 = arith.constant 1536 : i32
    %dma_wait3A_913 = arith.constant 0 : i32
    %dma_wait3A_914 = tpu.memref_slice %arg1[%dma_wait3A_912, %dma_wait3A_913] : memref<2816x12800xf32, #tpu.memory_space<hbm>> -> memref<256x12800xf32, #tpu.memory_space<hbm>>
    tpu.wait_dma2 semaphore(%dma_wait3A_911 : memref<!tpu.dma_semaphore, #tpu.memory_space<semaphore_mem>>) src(%arg3 : memref<256x12800xf32, #tpu.memory_space<vmem>>) dst(%dma_wait3A_914 : memref<256x12800xf32, #tpu.memory_space<hbm>>)
    %dma_wait3A_915 = arith.constant 7 : i32
    %dma_wait3A_916 = tpu.memref_slice %arg4[%dma_wait3A_915] : memref<11x!tpu.dma_semaphore, #tpu.memory_space<semaphore_mem>> -> memref<1x!tpu.dma_semaphore, #tpu.memory_space<semaphore_mem>>
    %dma_wait3A_917 = tpu.memref_squeeze %dma_wait3A_916 : memref<1x!tpu.dma_semaphore, #tpu.memory_space<semaphore_mem>> -> memref<!tpu.dma_semaphore, #tpu.memory_space<semaphore_mem>>
    %dma_wait3A_918 = arith.constant 1792 : i32
    %dma_wait3A_919 = arith.constant 0 : i32
    %dma_wait3A_920 = tpu.memref_slice %arg1[%dma_wait3A_918, %dma_wait3A_919] : memref<2816x12800xf32, #tpu.memory_space<hbm>> -> memref<256x12800xf32, #tpu.memory_space<hbm>>
    tpu.wait_dma2 semaphore(%dma_wait3A_917 : memref<!tpu.dma_semaphore, #tpu.memory_space<semaphore_mem>>) src(%arg3 : memref<256x12800xf32, #tpu.memory_space<vmem>>) dst(%dma_wait3A_920 : memref<256x12800xf32, #tpu.memory_space<hbm>>)
    %dma_wait3A_921 = arith.constant 8 : i32
    %dma_wait3A_922 = tpu.memref_slice %arg4[%dma_wait3A_921] : memref<11x!tpu.dma_semaphore, #tpu.memory_space<semaphore_mem>> -> memref<1x!tpu.dma_semaphore, #tpu.memory_space<semaphore_mem>>
    %dma_wait3A_923 = tpu.memref_squeeze %dma_wait3A_922 : memref<1x!tpu.dma_semaphore, #tpu.memory_space<semaphore_mem>> -> memref<!tpu.dma_semaphore, #tpu.memory_space<semaphore_mem>>
    %dma_wait3A_924 = arith.constant 2048 : i32
    %dma_wait3A_925 = arith.constant 0 : i32
    %dma_wait3A_926 = tpu.memref_slice %arg1[%dma_wait3A_924, %dma_wait3A_925] : memref<2816x12800xf32, #tpu.memory_space<hbm>> -> memref<256x12800xf32, #tpu.memory_space<hbm>>
    tpu.wait_dma2 semaphore(%dma_wait3A_923 : memref<!tpu.dma_semaphore, #tpu.memory_space<semaphore_mem>>) src(%arg3 : memref<256x12800xf32, #tpu.memory_space<vmem>>) dst(%dma_wait3A_926 : memref<256x12800xf32, #tpu.memory_space<hbm>>)
    %dma_wait3A_927 = arith.constant 9 : i32
    %dma_wait3A_928 = tpu.memref_slice %arg4[%dma_wait3A_927] : memref<11x!tpu.dma_semaphore, #tpu.memory_space<semaphore_mem>> -> memref<1x!tpu.dma_semaphore, #tpu.memory_space<semaphore_mem>>
    %dma_wait3A_929 = tpu.memref_squeeze %dma_wait3A_928 : memref<1x!tpu.dma_semaphore, #tpu.memory_space<semaphore_mem>> -> memref<!tpu.dma_semaphore, #tpu.memory_space<semaphore_mem>>
    %dma_wait3A_930 = arith.constant 2304 : i32
    %dma_wait3A_931 = arith.constant 0 : i32
    %dma_wait3A_932 = tpu.memref_slice %arg1[%dma_wait3A_930, %dma_wait3A_931] : memref<2816x12800xf32, #tpu.memory_space<hbm>> -> memref<256x12800xf32, #tpu.memory_space<hbm>>
    tpu.wait_dma2 semaphore(%dma_wait3A_929 : memref<!tpu.dma_semaphore, #tpu.memory_space<semaphore_mem>>) src(%arg3 : memref<256x12800xf32, #tpu.memory_space<vmem>>) dst(%dma_wait3A_932 : memref<256x12800xf32, #tpu.memory_space<hbm>>)
    %dma_wait3A_933 = arith.constant 10 : i32
    %dma_wait3A_934 = tpu.memref_slice %arg4[%dma_wait3A_933] : memref<11x!tpu.dma_semaphore, #tpu.memory_space<semaphore_mem>> -> memref<1x!tpu.dma_semaphore, #tpu.memory_space<semaphore_mem>>
    %dma_wait3A_935 = tpu.memref_squeeze %dma_wait3A_934 : memref<1x!tpu.dma_semaphore, #tpu.memory_space<semaphore_mem>> -> memref<!tpu.dma_semaphore, #tpu.memory_space<semaphore_mem>>
    %dma_wait3A_936 = arith.constant 2560 : i32
    %dma_wait3A_937 = arith.constant 0 : i32
    %dma_wait3A_938 = tpu.memref_slice %arg1[%dma_wait3A_936, %dma_wait3A_937] : memref<2816x12800xf32, #tpu.memory_space<hbm>> -> memref<256x12800xf32, #tpu.memory_space<hbm>>
    tpu.wait_dma2 semaphore(%dma_wait3A_935 : memref<!tpu.dma_semaphore, #tpu.memory_space<semaphore_mem>>) src(%arg3 : memref<256x12800xf32, #tpu.memory_space<vmem>>) dst(%dma_wait3A_938 : memref<256x12800xf32, #tpu.memory_space<hbm>>)
    return
  }
}

</mosaic_0001>

<sc_bundles>
// kernel: kernel.5.cloned.1.call-start
scs
__scs_entry_jumppad:
0x0: {  	(pc) =	sbr.rel $0x88, $3  }
0x1: {  	(tag) =	ssettag $0x0;
	lr =	simm.s32 $0x1  }
0x2: {  	[smem:$0x3FA0] =	sst lr;
	_ =	strace $0xD0000000  }
0x3: {  	_ = 	snop  }
0x4: {  	_ = 	snop  }
0x5: {  	_ = 	snop  }
0x6: {  	_ = 	snop  }
0x7: {  	_ = 	snop  }
__scs_overlays_trampoline_lowered:
0x8: {  	[smem:$0x3FAF] =	sst s0  }
0x9: {  	[smem:$0x3FB0] =	sst s1  }
0xa: {  	[smem:$0x3FB1] =	sst s2  }
0xb: {  	[smem:$0x3FB2] =	sst s3  }
0xc: {  	[smem:$0x3FB3] =	sst s4  }
0xd: {  	[smem:$0x3FB4] =	sst s5  }
0xe: {  	[smem:$0x3FB5] =	sst s6  }
0xf: {  	[smem:$0x3FB6] =	sst s7  }
0x10: {  	[smem:$0x3FB7] =	sst s8  }
0x11: {  	[smem:$0x3FB8] =	sst s9;
	s0 =	simm.s32 @!p0 $0x0  }
0x12: {  	s1 =	sld [smem:$0x3F9E];
	s0 =	simm.s32 @p0 $0x1  }
0x13: {  	[smem:$0x3FB9] =	sst s0;
	s0 =	simm.s32 @!p1 $0x0  }
0x14: {  	s2 =	sld [smem:$0x3F9D];
	s0 =	simm.s32 @p1 $0x1  }
0x15: {  	[smem:$0x3FBA] =	sst s0;
	s0 =	simm.s32 @!p2 $0x0  }
0x16: {  	s3 =	sld [smem:$0x3FDB];
	s0 =	simm.s32 @p2 $0x1  }
0x17: {  	s4 =	simm.s32 $0x1BF5;
	[smem:$0x3FBC] =	sst s0  }
0x18: {  	s0 =	sld [smem:$0x3F9F];
	_ =	swait.ge [sflag:s4], $0x0  }
0x19: {  	s7 =	sld [smem:$0x3FA0]  }
0x1a: {  	s8 =	sadd.s32 $0xFFFFE003, lr  }
0x1b: {  	s9 =	sadd.s32 $0xFFFFFEF7, lr;
	s5 =	simm.s32 $0xFFFFFFFF;
	p2 =	slt.u32 s8, $0xFFFFF086  }
0x1c: {  	p1 =	slt.u32 s9, $0xF7A;
	s5 =	simm.s32 @!p2 $0x0  }
0x1d: {  	s5 =	simm.s32 @p1 $0x1;
	p0 =	seq.s32 s7, s2  }
0x1e: {  	s7 =	smul.u32 @!p0 $0xF7A, s2;
	p2 =	seq.s32 @!p0 s5, $0x0  }
0x1f: {  	s9 =	smul.u32 $0xF7A, s1;
	s8 =	simm.s32 @!p0 $0x1BF5;
	p2 =	por !p2, p0  }
0x20: {  	[sflag:s8] =	ssyncset.s32 @!p0 $0xFFFFF086;
	s6 =	sadd.s32 @!p0 s3, s7;
	s7 =	simm.s32 @!p0 $0x108  }
0x21: {  	s3 =	sadd.s32 s3, s9;
	s6 =	sadd.s32 @!p0 $0x88, s6;
	s7 =	simm.s32 @p2 $0x1082  }
0x22: {  	[simem:s7], [sflag:s8] =	dma.local @!p0 [hbm:s6], $0xF7A  }
0x23: {  	s9 =	sor.u32 $0xD0000000, s2;
	s6 =	simm.s32 $0x108;
	_ =	swait.ge @!p0 [sflag:s8], $0x0  }
0x24: {  	s3 =	sadd.s32 $0x88, s3;
	s6 =	simm.s32 @!p1 $0x1082;
	[sflag:s4] =	ssyncset.s32 $0xFFFFF086  }
0x25: {  	[simem:s6], [sflag:s4] =	dma.local [hbm:s3], $0xF7A  }
0x26: {  	[smem:$0x3FA0] =	sst s1;
	(tag) =	ssettag s2;
	_ =	strace s9  }
0x27: {  	s1 =	sld [smem:$0x3FB0]  }
0x28: {  	s2 =	sld [smem:$0x3FB1]  }
0x29: {  	s4 =	sld [smem:$0x3FB3]  }
0x2a: {  	p0 =	seq.s32 s5, $0x0;
	s5 =	sld [smem:$0x3FB4]  }
0x2b: {  	s6 =	sld [smem:$0x3FB5]  }
0x2c: {  	s7 =	sld [smem:$0x3FB6]  }
0x2d: {  	s3 =	simm.s32 $0x108;
	s8 =	sld [smem:$0x3FB7]  }
0x2e: {  	s3 =	simm.s32 @!p0 $0x1082;
	s9 =	sld [smem:$0x3FB8]  }
0x2f: {  	lr =	sadd.s32 s0, s3;
	s0 =	sld [smem:$0x3FAF]  }
0x30: {  	s3 =	sld [smem:$0x3FB2]  }
0x31: {  	[smem:$0x3FBB] =	sst s10  }
0x32: {  	s10 =	sld [smem:$0x3FB9];
	_ =	sdelay $0x3  }
0x33: {  	p0 =	seq.s32 s10, $0x1;
	s10 =	sld [smem:$0x3FBB];
	_ =	sdelay $0x3  }
0x34: {  	[smem:$0x3FBB] =	sst s10  }
0x35: {  	s10 =	sld [smem:$0x3FBA];
	_ =	sdelay $0x3  }
0x36: {  	p1 =	seq.s32 s10, $0x1;
	s10 =	sld [smem:$0x3FBB];
	_ =	sdelay $0x3  }
0x37: {  	[smem:$0x3FBB] =	sst s10  }
0x38: {  	s10 =	sld [smem:$0x3FBC]  }
0x39: {  	_ = 	snop;
	(pc) =	sbr.ind lr, $3  }
0x3a: {  	_ = 	snop  }
0x3b: {  	_ = 	snop  }
0x3c: {  	p2 =	seq.s32 s10, $0x1;
	s10 =	sld [smem:$0x3FBB]  }
0x3d: {  	_ =	shalt  }
0x3e: {  	_ =	shalt  }
0x3f: {  	_ =	shalt  }
0x40: {  	_ =	shalt  }
0x41: {  	_ =	shalt  }
0x42: {  	_ =	shalt  }
0x43: {  	_ =	shalt  }
0x44: {  	_ =	shalt  }
0x45: {  	_ =	shalt  }
0x46: {  	_ =	shalt  }
0x47: {  	_ =	shalt  }
0x48: {  	_ =	shalt  }
0x49: {  	_ =	shalt  }
0x4a: {  	_ =	shalt  }
0x4b: {  	_ =	shalt  }
0x4c: {  	_ =	shalt  }
0x4d: {  	_ =	shalt  }
0x4e: {  	_ =	shalt  }
0x4f: {  	_ =	shalt  }
0x50: {  	_ =	shalt  }
0x51: {  	_ =	shalt  }
0x52: {  	_ =	shalt  }
0x53: {  	_ =	shalt  }
0x54: {  	_ =	shalt  }
0x55: {  	_ =	shalt  }
0x56: {  	_ =	shalt  }
0x57: {  	_ =	shalt  }
0x58: {  	_ =	shalt  }
0x59: {  	_ =	shalt  }
0x5a: {  	_ =	shalt  }
0x5b: {  	_ =	shalt  }
0x5c: {  	_ =	shalt  }
0x5d: {  	_ =	shalt  }
0x5e: {  	_ =	shalt  }
0x5f: {  	_ =	shalt  }
0x60: {  	_ =	shalt  }
0x61: {  	_ =	shalt  }
0x62: {  	_ =	shalt  }
0x63: {  	_ =	shalt  }
0x64: {  	_ =	shalt  }
0x65: {  	_ =	shalt  }
0x66: {  	_ =	shalt  }
0x67: {  	_ =	shalt  }
0x68: {  	_ =	shalt  }
0x69: {  	_ =	shalt  }
0x6a: {  	_ =	shalt  }
0x6b: {  	_ =	shalt  }
0x6c: {  	_ =	shalt  }
0x6d: {  	_ =	shalt  }
0x6e: {  	_ =	shalt  }
0x6f: {  	_ =	shalt  }
0x70: {  	_ =	shalt  }
0x71: {  	_ =	shalt  }
0x72: {  	_ =	shalt  }
0x73: {  	_ =	shalt  }
0x74: {  	_ =	shalt  }
0x75: {  	_ =	shalt  }
0x76: {  	_ =	shalt  }
0x77: {  	_ =	shalt  }
0x78: {  	_ =	shalt  }
0x79: {  	_ =	shalt  }
0x7a: {  	_ =	shalt  }
0x7b: {  	_ =	shalt  }
0x7c: {  	_ =	shalt  }
0x7d: {  	_ =	shalt  }
0x7e: {  	_ =	shalt  }
0x7f: {  	_ =	shalt  }
0x80: {  	_ =	shalt  }
0x81: {  	_ =	shalt  }
0x82: {  	_ =	shalt  }
0x83: {  	_ =	shalt  }
0x84: {  	_ =	shalt  }
0x85: {  	_ =	shalt  }
0x86: {  	_ =	shalt  }
0x87: {  	_ =	shalt  }
.Lfunc_end0:
.L_simem_size_0:
called_computation.1_lowered:
.L_overlay_start_0:
0x88: {  	s2 =	sld [smem:$0x3FD9]  }
0x89: {  	s3 =	sld [smem:$0x3FFE];
	_ =	sdelay $0x1  }
0x8a: {  	s1 =	srdreg.scid  }
0x8b: {  	s0 =	sand.u32 $0x1, s1  }
0x8c: {  	s16 =	sshll.u32 s0, $0xA;
	s2 =	sadd.s32 s3, s2  }
0x8d: {  	s2 =	sadd.s32 s2, s16  }
0x8e: {  	[smem:$0x3FC7] =	sst s2  }
0x8f: {  	_ = 	snop  }
0x90: {  	(tm) =	ssettm $0x1  }
0x91: {  	s17 =	sld [smem:$0x3FFB];
	_ =	sdelay $0x3  }
0x92: {  	_ =	strace s17  }
0x93: {  	s2 =	sld [smem:$0x3FFC];
	_ =	sdelay $0x3  }
0x94: {  	_ =	strace s2  }
0x95: {  	s2 =	sld [smem:$0x3FFD];
	_ =	sdelay $0x3  }
0x96: {  	_ =	strace s2  }
0x97: {  	_ =	strace $0x8FFFFFFF  }
0x98: {  	s18 =	sld [smem:$0x3FDB];
	_ =	sdelay $0x1  }
0x99: {  	s19 =	simm.s32 $_scs_section_size  }
0x9a: {  	s4 =	simm.s32 $_size__tile_overlayer_lowered;
	s5 =	simm.s32 $_tile_overlayer_lowered  }
0x9b: {  	s22 =	simm.s32 $0x1BFF;
	s21 =	sshll.u32 s5, $0x1;
	s2 =	sadd.s32 s19, s18  }
0x9c: {  	s6 =	simm.s32 $0x0;
	s20 =	sshll.u32 s4, $0x1;
	s4 =	sadd.s32 s21, s2  }
0x9d: {  	[timem:s6], [sflag:s22] =	dma.local [hbm:s4], s20  }
0x9e: {  	_ =	swait.ge [sflag:s22], s20  }
0x9f: {  	s3 =	ssub.s32 $0x0, s20;
	[sflag:s22] =	ssyncset.done $0x0  }
0xa0: {  	[sflag:s22] =	ssyncadd.s32 s3;
	_ =	sdelay $0x1  }
0xa1: {  	s23 =	simm.s32 $0x1B8B  }
0xa2: {  	_ =	swait.ge [sflag:s23], $0x1  }
0xa3: {  	[sflag:s23] =	ssyncset.done $0x0  }
0xa4: {  	s25 =	simm.s32 $0x1B8E;
	s24 =	sld [smem:$0x3FFE];
	[sflag:s23] =	ssyncadd.s32 $0xFFFFFFFF  }
0xa5: {  	s26 =	simm.s32 $execute0_lowered;
	[smem:$0x3FD2] =	sst s25  }
0xa6: {  	s4 =	sshll.u32 s26, $0x1;
	_ =	strace $0x80000046;
	[dreg:$0x1] =	wrdreg $0xFFFFFFFF  }
0xa7: {  	s28 =	simm.s32 $_size_execute0_lowered;
	s2 =	sadd.s32 s2, s4;
	[dreg:$0x0] =	wrdreg $0x0  }
0xa8: {  	s4 =	sshll.u32 s28, $0x1;
	[dreg:$0x2] =	wrdreg s2  }
0xa9: {  	[dreg:$0x3] =	wrdreg s4  }
0xaa: {  	[dreg:$0x4] =	wrdreg $0xC0  }
0xab: {  	_ =	task [dreg:s6], $0x5FFFF  }
0xac: {  	[dreg:$0x1] =	wrdreg $0xFFFFFFFF  }
0xad: {  	[dreg:$0x0] =	wrdreg $0x60  }
0xae: {  	[dreg:$0x2] =	wrdreg s24  }
0xaf: {  	[dreg:$0x3] =	wrdreg $0x9  }
0xb0: {  	_ =	task.clear_ibuf [dreg:s6], $0x4FFFF;
	_ =	strace $0x90000046  }
0xb1: {  	s29 =	simm.s32 $0x9;
	_ =	strace $0x80000048  }
0xb2: {  	_ =	swait.ge [sflag:s29], $0x1  }
0xb3: {  	[sflag:s29] =	ssyncadd.s32 $0xFFFFFFFF  }
0xb4: {  	_ =	strace $0x90000048  }
0xb5: {  	_ =	sfence  }
0xb6: {  	s30 =	sld [smem:$0x0];
	_ =	sdelay $0x2  }
0xb7: {  	s31 =	sshll.u32 s1, $0xD;
	s1 =	sshrl.u32 s1, $0x2  }
0xb8: {  	s3 =	sand.u32 $0x4000, s31;
	s1 =	sadd.s32 s1, s30  }
0xb9: {  	s0 =	sor.u32 s3, s0;
	s1 =	sshll.u32 s1, $0x11  }
0xba: {  	s0 =	sor.u32 s1, s0  }
0xbb: {  	s0 =	sadd.s32 $0x8F2B, s0  }
0xbc: {  	[sflag:s0] =	ssyncadd.remote.s32 $0x1  }
0xbd: {  	_ =	sfence.sel $0xFFFF  }
0xbe: {  	[dreg:$0x0] =	wrdreg $0xFFFFFFFF;
	(pc) =	sbr.abs _section_cstart, $3  }
0xbf: {  	[dreg:$0x1] =	wrdreg $0xFFFFFFFF  }
0xc0: {  	_ =	task.clear_ibuf [dreg:s6], $0x2FFFF;
	_ =	strace $0x9FFFFFFF  }
0xc1: {  	(tm) =	ssettm $0x7FFFFFFF  }
tec
execute0_lowered:
.L_overlay_start_1:
0x0: {  	(tag) =	ssettag $0x1  }
0x1: {  	s1 =	srdreg.scid;
	s0 =	stileid.u32  }
0x2: {  	s4 =	rddreg [dreg:$0x0];
	s2 =	simm.s32 $0x0;
	s16 =	simm.s32 $0x1  }
0x3: {  	s17 =	simm.s32 $0x200;
	s18 =	simm.s32 $0x400;
	s19 =	simm.s32 $0x80  }
0x4: {  	s3 =	sand.u32 $0x1, s1;
	s5 =	sshll.u32 s0, $0x1;
	s1 =	rddreg [dreg:$0x1]  }
0x5: {  	s20 =	simm.s32 $0x0;
	[smem:$0x7FF] =	sst s2;
	s5 =	sor.u32 s3, s5  }
0x6: {  	s12 =	sadd.s32 $0x1800, s4;
	s3 =	ssub.s32 $0x2, s3;
	s5 =	smul.u32 $0x28, s5  }
0x7: {  	s15 =	sadd.s32 $0x1840, s4;
	_ =	strace $0x80000047;
	s6 =	sshrl.u32 s3, $0x1  }
0x8: {  	s14 =	ssub.s32 s3, s6;
	s29 =	sshrl.u32 s5, $0x3;
	s7 =	sadd.s32 $0x8, s5  }
0x9: {  	s31 =	sadd.s32 $0x18, s5;
	s13 =	smul.u32 $0x3200, s29;
	s30 =	sshrl.u32 s7, $0x3  }
0xa: {  	s3 =	sadd.s32 $0x1680, s4;
	s8 =	sshrl.u32 s31, $0x3;
	s7 =	smul.u32 $0x3200, s30  }
0xb: {  	s14 =	smax.u32 s14, $0x1;
	s11 =	smul.u32 $0x3200, s8;
	s4 =	sadd.s32 s12, s13  }
0xc: {  	s5 =	sadd.s32 s13, s15;
	s9 =	sadd.s32 $0x6400, s13;
	s13 =	sadd.s32 $0xC800, s13  }
0xd: {  	s6 =	sadd.s32 s12, s7;
	s7 =	sadd.s32 s7, s15;
	s8 =	sadd.s32 s12, s9  }
0xe: {  	s9 =	sadd.s32 s9, s15;
	s10 =	sadd.s32 s12, s11;
	s11 =	sadd.s32 s11, s15  }
0xf: {  	s12 =	sadd.s32 s12, s13;
	s13 =	sadd.s32 s13, s15;
	s15 =	simm.s32 $0x2  }
.LBB2_1:
0x10: {  	[tilespmem:s2], [sflag:$0x2] =	stream.linear.gather [hbm4b:s3+s2], $0x80, $0x38;
	[tilespmem:$0xC880] =	vst v63  }
0x11: {  	_ =	swait.ge [sflag:s15], $0x80  }
0x12: {  	[sflag:s15] =	ssyncset.done $0x0  }
0x13: {  	[sflag:s15] =	ssyncadd.s32 $0xFFFFFF80  }
0x14: {  	v0 =	vld [tilespmem:$0x30]  }
0x15: {  	v2 =	vld [tilespmem:$0x0]  }
0x16: {  	v1 =	vld [tilespmem:$0x20]  }
0x17: {  	s21 =	sand.u32 $0x40, s2;
	s22 =	sand.u32 $0xFE00, s2;
	v3 =	vld [tilespmem:$0x10]  }
0x18: {  	s21 =	sor.u32 s21, s22  }
0x19: {  	[tilespmem:s21+$0x130] =	vst v0  }
0x1a: {  	[tilespmem:s21+$0x100] =	vst v2  }
0x1b: {  	[tilespmem:s21+$0x120] =	vst v1  }
0x1c: {  	p0 =	por $0x0, $0x0;
	s22 =	simm.s32 $0x1;
	[tilespmem:s21+$0x110] =	vst v3  }
0x1d: {  	s22 =	simm.s32 @!p0 $0x0;
	[tilespmem:s21+$0xB0] =	vst v0  }
0x1e: {  	s22 =	sshll.u32 s22, $0x6;
	[tilespmem:s21+$0xA0] =	vst v1  }
0x1f: {  	s22 =	sadd.s32 $0x0, s22;
	[tilespmem:s21+$0x90] =	vst v3  }
0x20: {  	s23 =	sor.u32 $0x100, s22;
	s24 =	sadd.s32 $0x10, s22;
	[tilespmem:s21+$0x80] =	vst v2  }
0x21: {  	s25 =	sor.u32 $0x100, s24;
	s21 =	sadd.s32 $0x20, s22;
	[tilespmem:s23+$0x80] =	vst v2  }
0x22: {  	s28 =	sadd.s32 $0x30, s22;
	s26 =	sor.u32 $0x100, s21;
	[tilespmem:s25+$0x80] =	vst v3  }
0x23: {  	s29 =	sor.u32 $0x100, s28;
	[tilespmem:s26+$0x80] =	vst v1  }
0x24: {  	s30 =	sor.u32 $0x180, s22;
	[tilespmem:s29+$0x80] =	vst v0  }
0x25: {  	p0 =	por !p0, !p0;
	s31 =	sor.u32 $0x180, s24;
	s22 =	simm.s32 $0x40;
	[tilespmem:s30+$0x80] =	vst v2  }
0x26: {  	s24 =	sor.u32 $0x180, s21;
	s23 =	sor.u32 $0x180, s28;
	s21 =	simm.s32 $0x100;
	[tilespmem:s31+$0x80] =	vst v3  }
.LBB2_2:
0x27: {  	s25 =	simm.s32 $0x1;
	s26 =	sand.u32 $0x40, s22  }
0x28: {  	s28 =	sand.u32 $0xFE00, s21;
	[tilespmem:s24+$0x80] =	vst v1;
	s24 =	smov.u32 s22;
	s25 =	simm.s32 @!p0 $0x0  }
0x29: {  	s24 =	sshll.u32 s25, $0x6;
	s25 =	sor.u32 s26, s28;
	s26 =	sadd.s32 $0x40, s22;
	[tilespmem:s23+$0x80] =	vst v0  }
0x2a: {  	p1 =	sne.s32 s22, $0x31C0;
	s23 =	sadd.s32 s24, s21;
	[tilespmem:s25+$0x130] =	vst v0  }
0x2b: {  	[tilespmem:s25+$0x100] =	vst v2;
	s22 =	sor.u32 $0x100, s23;
	s24 =	sadd.s32 $0x10, s23;
	s28 =	sadd.s32 $0x20, s23  }
0x2c: {  	s29 =	sadd.s32 $0x30, s23;
	[tilespmem:s25+$0x120] =	vst v1  }
0x2d: {  	s30 =	sor.u32 $0x100, s28;
	[tilespmem:s25+$0x110] =	vst v3  }
0x2e: {  	[tilespmem:s25+$0xB0] =	vst v0  }
0x2f: {  	[tilespmem:s25+$0xA0] =	vst v1  }
0x30: {  	[tilespmem:s25+$0x90] =	vst v3  }
0x31: {  	[tilespmem:s25+$0x80] =	vst v2;
	s25 =	sor.u32 $0x100, s24  }
0x32: {  	[tilespmem:s22+$0x80] =	vst v2  }
.Ltmp0:
0x33: {  	s22 =	sor.u32 $0x100, s29;
	[tilespmem:s25+$0x80] =	vst v3;
	(pc) =	sbr.rel @p1 .LBB2_2-.Ltmp0, $4  }
0x34: {  	s23 =	sor.u32 $0x180, s23;
	[tilespmem:s30+$0x80] =	vst v1  }
0x35: {  	[tilespmem:s22+$0x80] =	vst v0;
	s22 =	sor.u32 $0x180, s24  }
0x36: {  	p0 =	por !p0, !p0;
	s24 =	sor.u32 $0x180, s28;
	[tilespmem:s23+$0x80] =	vst v2  }
0x37: {  	s21 =	sadd.s32 $0x100, s21;
	s23 =	sor.u32 $0x180, s29;
	[tilespmem:s22+$0x80] =	vst v3;
	s22 =	smov.u32 s26  }
0x38: {  	[tilespmem:s24+$0x80] =	vst v1  }
0x39: {  	[tilespmem:s23+$0x80] =	vst v0  }
0x3a: {  	[hbm4b:s4+s17] =	stream.strided.scatter [tilespmem:s19], [sflag:$0x1], $0xC800, s18, s17, $0x38;
	[tilespmem:$0xC880] =	vst v63  }
0x3b: {  	_ = 	snop  }
0x3c: {  	[hbm4b:s5+s17] =	stream.strided.scatter [tilespmem:s19], [sflag:$0x1], $0xC800, s18, s17, $0x38;
	[tilespmem:$0xC880] =	vst v63  }
0x3d: {  	_ = 	snop  }
0x3e: {  	[hbm4b:s6+s17] =	stream.strided.scatter [tilespmem:s19], [sflag:$0x1], $0xC800, s18, s17, $0x38;
	[tilespmem:$0xC880] =	vst v63  }
0x3f: {  	_ = 	snop  }
0x40: {  	[hbm4b:s7+s17] =	stream.strided.scatter [tilespmem:s19], [sflag:$0x1], $0xC800, s18, s17, $0x38;
	[tilespmem:$0xC880] =	vst v63  }
0x41: {  	_ = 	snop  }
0x42: {  	[hbm4b:s8+s17] =	stream.strided.scatter [tilespmem:s19], [sflag:$0x1], $0xC800, s18, s17, $0x38;
	[tilespmem:$0xC880] =	vst v63  }
0x43: {  	_ = 	snop  }
0x44: {  	[hbm4b:s9+s17] =	stream.strided.scatter [tilespmem:s19], [sflag:$0x1], $0xC800, s18, s17, $0x38;
	[tilespmem:$0xC880] =	vst v63  }
0x45: {  	_ = 	snop  }
0x46: {  	[hbm4b:s10+s17] =	stream.strided.scatter [tilespmem:s19], [sflag:$0x1], $0xC800, s18, s17, $0x38;
	[tilespmem:$0xC880] =	vst v63  }
0x47: {  	_ = 	snop  }
0x48: {  	[hbm4b:s11+s17] =	stream.strided.scatter [tilespmem:s19], [sflag:$0x1], $0xC800, s18, s17, $0x38;
	[tilespmem:$0xC880] =	vst v63  }
0x49: {  	_ = 	snop  }
0x4a: {  	[hbm4b:s12+s17] =	stream.strided.scatter [tilespmem:s19], [sflag:$0x1], $0xC800, s18, s17, $0x38;
	[tilespmem:$0xC880] =	vst v63  }
0x4b: {  	_ = 	snop  }
0x4c: {  	[hbm4b:s13+s17] =	stream.strided.scatter [tilespmem:s19], [sflag:$0x1], $0xC800, s18, s17, $0x38;
	[tilespmem:$0xC880] =	vst v63  }
0x4d: {  	_ =	swait.ge [sflag:s16], $0xC800  }
0x4e: {  	[sflag:s16] =	ssyncset.done $0x0  }
0x4f: {  	[sflag:s16] =	ssyncadd.s32 $0xFFFF3800  }
0x50: {  	_ =	swait.ge [sflag:s16], $0xC800  }
0x51: {  	[sflag:s16] =	ssyncset.done $0x0  }
0x52: {  	[sflag:s16] =	ssyncadd.s32 $0xFFFF3800  }
0x53: {  	_ =	swait.ge [sflag:s16], $0xC800  }
0x54: {  	[sflag:s16] =	ssyncset.done $0x0  }
0x55: {  	[sflag:s16] =	ssyncadd.s32 $0xFFFF3800  }
0x56: {  	_ =	swait.ge [sflag:s16], $0xC800  }
0x57: {  	[sflag:s16] =	ssyncset.done $0x0  }
0x58: {  	[sflag:s16] =	ssyncadd.s32 $0xFFFF3800  }
0x59: {  	_ =	swait.ge [sflag:s16], $0xC800  }
0x5a: {  	[sflag:s16] =	ssyncset.done $0x0  }
0x5b: {  	[sflag:s16] =	ssyncadd.s32 $0xFFFF3800  }
0x5c: {  	_ =	swait.ge [sflag:s16], $0xC800  }
0x5d: {  	[sflag:s16] =	ssyncset.done $0x0  }
0x5e: {  	[sflag:s16] =	ssyncadd.s32 $0xFFFF3800  }
0x5f: {  	_ =	swait.ge [sflag:s16], $0xC800  }
0x60: {  	[sflag:s16] =	ssyncset.done $0x0  }
0x61: {  	[sflag:s16] =	ssyncadd.s32 $0xFFFF3800  }
0x62: {  	_ =	swait.ge [sflag:s16], $0xC800  }
0x63: {  	[sflag:s16] =	ssyncset.done $0x0  }
0x64: {  	s20 =	sadd.s32 $0x1, s20;
	[sflag:s16] =	ssyncadd.s32 $0xFFFF3800  }
0x65: {  	p0 =	sne.s32 s20, s14;
	_ =	swait.ge [sflag:s16], $0xC800  }
.Ltmp1:
0x66: {  	[sflag:s16] =	ssyncset.done $0x0;
	(pc) =	sbr.rel @p0 .LBB2_1-.Ltmp1, $4  }
0x67: {  	[sflag:s16] =	ssyncadd.s32 $0xFFFF3800  }
0x68: {  	_ =	swait.ge [sflag:s16], $0xC800  }
0x69: {  	[sflag:s16] =	ssyncset.done $0x0  }
0x6a: {  	[sflag:s16] =	ssyncadd.s32 $0xFFFF3800  }
0x6b: {  	_ =	sfence.sel $0x180000  }
0x6c: {  	[bflag:$0x0] =	sbarrier.arrive $0xFFFF  }
0x6d: {  	p0 =	sne.s32 s0, $0x0;
	_ =	strace $0x90000047  }
0x6e: {  	s0 =	sadd.s32 @!p0 $0x100000, s1;
	[bflag:$0x2] =	sbarrier.arrive $0xFFFF  }
0x6f: {  	[sflag:s0] =	ssyncadd.tile.s32 @!p0 $0x1;
	_ =	shalt  }
.Lfunc_end2:
_tile_overlayer_lowered:
.L_overlay_start_2:
0x70: {  	(tag) =	ssettag $0x2  }
0x71: {  	s0 =	rddreg [dreg:$0x0];
	s2 =	stileid.u32  }
0x72: {  	s1 =	rddreg [dreg:$0x1];
	p0 =	sne.s32 s2, $0x0  }
0x73: {  	s3 =	rddreg [dreg:$0x2];
	[bflag:$0x3] =	sbarrier.arrive $0xFFFF;
	s2 =	simm.s32 @!p0 $0x1C02  }
0x74: {  	[timem:s3], [sflag:s2] =	dma.local @!p0 [hbm:s0], s1  }
0x75: {  	s0 =	simm.s32 @!p0 $0x2  }
0x76: {  	_ =	swait.ge @!p0 [sflag:s0], s1  }
0x77: {  	s1 =	ssub.s32 @!p0 $0x0, s1;
	[sflag:s0] =	ssyncset.done @!p0 $0x0  }
0x78: {  	[sflag:s0] =	ssyncadd.s32 @!p0 s1  }
0x79: {  	[bflag:$0x3] =	sbarrier.arrive $0xFFFF  }
0x7a: {  	_ =	shalt  }

// kernel: sparse-core-data-format-call.cloned.1.call-start
scs
called_computation_lowered:
.L_overlay_start_0:
0x0: {  	s2 =	sld [smem:$0x3FD9]  }
0x1: {  	s3 =	sld [smem:$0x3FFE];
	_ =	sdelay $0x1  }
0x2: {  	s1 =	srdreg.scid  }
0x3: {  	s0 =	sand.u32 $0x1, s1  }
0x4: {  	s18 =	sshll.u32 s0, $0xA;
	s2 =	sadd.s32 s3, s2  }
0x5: {  	s2 =	sadd.s32 s2, s18  }
0x6: {  	[smem:$0x3FC7] =	sst s2  }
0x7: {  	_ = 	snop  }
0x8: {  	s2 =	sld [smem:$0x3FD0];
	(tm) =	ssettm $0x1  }
0x9: {  	s19 =	sld [smem:$0x3FFB];
	_ =	sdelay $0x3  }
0xa: {  	_ =	strace s19  }
0xb: {  	s3 =	sld [smem:$0x3FFC];
	_ =	sdelay $0x3  }
0xc: {  	_ =	strace s3  }
0xd: {  	s3 =	sld [smem:$0x3FFD];
	_ =	sdelay $0x3  }
0xe: {  	_ =	strace s3  }
0xf: {  	_ =	strace $0x8FFFFFFF  }
0x10: {  	s20 =	sld [smem:$0x3FDB];
	_ =	sdelay $0x1  }
0x11: {  	s4 =	simm.s32 $_scs_section_size  }
0x12: {  	s5 =	simm.s32 $_size__tile_overlayer_lowered;
	s6 =	simm.s32 $_tile_overlayer_lowered  }
0x13: {  	s23 =	simm.s32 $0x1BFF;
	s22 =	sshll.u32 s6, $0x1;
	s3 =	sadd.s32 s4, s20  }
0x14: {  	s7 =	simm.s32 $0x0;
	s21 =	sshll.u32 s5, $0x1;
	s5 =	sadd.s32 s22, s3  }
0x15: {  	[timem:s7], [sflag:s23] =	dma.local [hbm:s5], s21  }
0x16: {  	_ =	swait.ge [sflag:s23], s21  }
0x17: {  	s4 =	ssub.s32 $0x0, s21;
	[sflag:s23] =	ssyncset.done $0x0  }
0x18: {  	[sflag:s23] =	ssyncadd.s32 s4;
	_ =	sdelay $0x1  }
0x19: {  	s24 =	simm.s32 $0x1B8B  }
0x1a: {  	_ =	swait.ge [sflag:s24], $0x1  }
0x1b: {  	[sflag:s24] =	ssyncset.done $0x0  }
0x1c: {  	s26 =	simm.s32 $0x1B8E;
	s25 =	sld [smem:$0x3FFE];
	[sflag:s24] =	ssyncadd.s32 $0xFFFFFFFF  }
0x1d: {  	s27 =	simm.s32 $execute0_lowered;
	[smem:$0x3FD2] =	sst s26  }
0x1e: {  	s5 =	sshll.u32 s27, $0x1;
	_ =	strace $0x80000049;
	[dreg:$0x1] =	wrdreg $0xFFFFFFFF  }
0x1f: {  	s28 =	simm.s32 $_size_execute0_lowered;
	s3 =	sadd.s32 s3, s5;
	[dreg:$0x0] =	wrdreg $0x0  }
0x20: {  	s5 =	sshll.u32 s28, $0x1;
	[dreg:$0x2] =	wrdreg s3  }
0x21: {  	[dreg:$0x3] =	wrdreg s5  }
0x22: {  	[dreg:$0x4] =	wrdreg $0xC0  }
0x23: {  	_ =	task [dreg:s7], $0x5FFFF  }
0x24: {  	[dreg:$0x1] =	wrdreg $0xFFFFFFFF  }
0x25: {  	[dreg:$0x0] =	wrdreg $0x60  }
0x26: {  	[dreg:$0x2] =	wrdreg s25  }
0x27: {  	[dreg:$0x3] =	wrdreg s2  }
0x28: {  	[dreg:$0x4] =	wrdreg $0x9  }
0x29: {  	_ =	task.clear_ibuf [dreg:s7], $0x5FFFF;
	_ =	strace $0x90000049  }
0x2a: {  	s29 =	simm.s32 $0x9;
	_ =	strace $0x8000004B  }
0x2b: {  	_ =	swait.ge [sflag:s29], $0x1  }
0x2c: {  	[sflag:s29] =	ssyncadd.s32 $0xFFFFFFFF  }
0x2d: {  	_ =	strace $0x9000004B  }
0x2e: {  	_ =	sfence  }
0x2f: {  	s30 =	sld [smem:$0x0];
	_ =	sdelay $0x2  }
0x30: {  	s31 =	sshll.u32 s1, $0xD;
	s1 =	sshrl.u32 s1, $0x2  }
0x31: {  	s3 =	sand.u32 $0x4000, s31;
	s1 =	sadd.s32 s1, s30  }
0x32: {  	s0 =	sor.u32 s3, s0;
	s1 =	sshll.u32 s1, $0x11  }
0x33: {  	s0 =	sor.u32 s1, s0  }
0x34: {  	s0 =	sadd.s32 $0x8F2B, s0  }
0x35: {  	[sflag:s0] =	ssyncadd.remote.s32 $0x1  }
0x36: {  	_ =	sfence.sel $0xFFFF  }
0x37: {  	[dreg:$0x0] =	wrdreg $0xFFFFFFFF;
	(pc) =	sbr.abs _section_cstart, $3  }
0x38: {  	[dreg:$0x1] =	wrdreg $0xFFFFFFFF  }
0x39: {  	_ =	task.clear_ibuf [dreg:s7], $0x2FFFF;
	_ =	strace $0x9FFFFFFF  }
0x3a: {  	(tm) =	ssettm $0x7FFFFFFF  }
0x3b: {  	_ =	shalt  }
tec
execute0_lowered:
.L_overlay_start_1:
0x0: {  	(tag) =	ssettag $0x1  }
0x1: {  	s0 =	srdreg.scid  }
0x2: {  	s1 =	sshll.u32 s0, $0x4  }
0x3: {  	s0 =	stileid.u32;
	s1 =	sand.u32 $0x10, s1  }
0x4: {  	s1 =	sor.u32 s0, s1  }
0x5: {  	s6 =	rddreg [dreg:$0x0];
	s4 =	simm.s32 $0x1;
	s2 =	sshll.u32 s1, $0x7  }
0x6: {  	s7 =	simm.s32 $0x2;
	s13 =	simm.s32 $0x0;
	s1 =	ssub.s32 $0x1000, s2  }
0x7: {  	s8 =	simm.s32 $0x8000;
	s12 =	simm.s32 $0x0;
	s3 =	sand.u32 $0xF80, s1  }
0x8: {  	s9 =	simm.s32 $0x0;
	s5 =	sshrl.u32 s1, $0xC;
	p0 =	sne.s32 s3, $0x0  }
.Ltmp0:
0x9: {  	s1 =	rddreg [dreg:$0x2];
	s4 =	simm.s32 @!p0 $0x0;
	(pc) =	sbr.rel .LBB1_1-.Ltmp0, $4  }
0xa: {  	s11 =	simm.s32 $0x0;
	s3 =	rddreg [dreg:$0x1];
	s5 =	sadd.s32 s4, s5  }
0xb: {  	_ =	strace $0x8000004A;
	s4 =	simm.s32 $0x1;
	s5 =	smul.u32 $0x64, s5  }
0xc: {  	s6 =	sadd.s32 $0x1F5800, s6;
	s10 =	smov.u32 s2;
	[sflag:s4] =	ssyncpa.u1 $0x0  }
0xd: {  	p0 =	por $0x0, $0x0;
	[sflag:s7] =	ssyncpa.u1 $0x0;
	s7 =	sor.u32 $0x1, s5  }
.LBB1_4:
0xe: {  	v5 =	vld [tilespmem:s17+$0xFFFFFFD0];
	[tilespmem:s16+$0x2040 ss:$0x81] =	vst.msk $0xffff, v4;
	s19 =	sshll.u32 s13, $0xC;
	s20 =	sshll.u32 s12, $0x3  }
0xf: {  	v58 =	vld [tilespmem:s17+$0xFFFFFFE0];
	[tilespmem:s16+$0x2850 ss:$0x81] =	vst.msk $0xffff, v3;
	s19 =	sand.u32 $0xFFFF8000, s19;
	s21 =	sand.u32 $0xFFFFFC00, s20  }
0x10: {  	s18 =	sshra.s32 s18, $0x2;
	v59 =	vld [tilespmem:s17+$0xFFFFFFF0];
	[tilespmem:s16+$0x3060 ss:$0x81] =	vst.msk $0xffff, v2;
	s19 =	sadd.s32 s21, s19  }
0x11: {  	v60 =	vld [tilespmem:s17+$0x0];
	[tilespmem:s16+$0x0 ss:$0x81] =	vst.msk $0xffff, v0;
	s15 =	sadd.s32 s18, s15;
	s26 =	sshrl.u32 s19, $0xC  }
0x12: {  	v61 =	vld [tilespmem:s17+$0x10];
	[tilespmem:s15+$0x3870 ss:$0x81] =	vst.msk $0xffff, v1;
	s27 =	smulhi.u32 $0xA3D71, s26  }
0x13: {  	v62 =	vld [tilespmem:s17+$0x20];
	s28 =	sand.u32 $0x78, s12;
	[tilespmem:s15+$0x810 ss:$0x81] =	vst.msk $0xffff, v5  }
0x14: {  	v63 =	vld [tilespmem:s17+$0xFFFFFFC0];
	s29 =	sshll.u32 s13, $0x7;
	s30 =	sand.u32 $0xC00, s20;
	[tilespmem:s15+$0x1020 ss:$0x81] =	vst.msk $0xffff, v58;
	s18 =	sshrl.u32 s27, $0x1  }
0x15: {  	s13 =	sand.u32 $0x380, s29;
	s17 =	sor.u32 s28, s30;
	[tilespmem:s15+$0x1830 ss:$0x81] =	vst.msk $0xffff, v59;
	s18 =	smul.u32 $0x3200, s18  }
0x16: {  	s13 =	sor.u32 s13, s17;
	[tilespmem:s15+$0x2040 ss:$0x81] =	vst.msk $0xffff, v60  }
0x17: {  	s31 =	sand.u32 $0x7, s12;
	s13 =	sshrl.u32 s13, $0x3;
	[tilespmem:s15+$0x2850 ss:$0x81] =	vst.msk $0xffff, v61;
	s16 =	ssub.s32 s26, s18  }
0x18: {  	s12 =	sshll.u32 s31, $0x12;
	[tilespmem:s15+$0x3060 ss:$0x81] =	vst.msk $0xffff, v62;
	s13 =	sadd.s32 s3, s13;
	s16 =	sshll.u32 s16, $0x9  }
0x19: {  	s12 =	sor.u32 $0x400, s12;
	[tilespmem:s15+$0x0 ss:$0x81] =	vst.msk $0xffff, v63;
	s13 =	sadd.s32 s16, s13  }
0x1a: {  	[hbm4b:s13+s12] =	stream.strided.scatter [tilespmem:s14], [sflag:$0x2], $0x4000, s8, s12, $0x20;
	[tilespmem:$0x10100] =	vst v63  }
.LBB1_5:
0x1b: {  	s14 =	sadd.s32 $0x80, s9  }
0x1c: {  	s12 =	sadd.s32 $0x1000, s10;
	s16 =	smov.u32 s10;
	p2 =	sgt.s32 s14, $0x31FF  }
0x1d: {  	s16 =	smov.u32 @p2 s12  }
0x1e: {  	s14 =	simm.s32 @p2 $0x0;
	p2 =	sgt.s32 s16, $0xFFF  }
0x1f: {  	s16 =	smov.u32 @p2 s2;
	p2 =	sne.s32 s11, s7  }
.Ltmp1:
0x20: {  	p1 =	slt.u32 s11, $0x2;
	(pc) =	sbr.rel @!p2 .LBB1_6-.Ltmp1, $4  }
0x21: {  	s15 =	simm.s32 @!p1 $0x2  }
0x22: {  	s13 =	smov.u32 s9;
	p0 =	por !p0, !p0;
	_ =	swait.ge @!p1 [sflag:s15], $0x4000  }
0x23: {  	s12 =	smov.u32 s10;
	[sflag:s15] =	ssyncset.done @!p1 $0x0;
	s9 =	smov.u32 s14  }
0x24: {  	s11 =	sadd.s32 $0x1, s11;
	[sflag:s15] =	ssyncadd.s32 @!p1 $0xFFFFC000;
	s10 =	smov.u32 s16  }
.LBB1_1:
0x25: {  	p1 =	sge.u32 s11, s5  }
0x26: {  	s14 =	sshrl.u32 @!p1 s10, $0x3  }
0x27: {  	s15 =	sshll.u32 @!p1 s9, $0x3;
	s14 =	smul.u32 @!p1 $0x19000, s14  }
0x28: {  	s16 =	sshll.u32 @!p1 s10, $0x7;
	s15 =	sand.u32 @!p1 $0xFFFFFC00, s15  }
0x29: {  	s14 =	sadd.s32 @!p1 s14, s15;
	s15 =	sand.u32 @!p1 $0x380, s16  }
0x2a: {  	s16 =	sand.u32 @!p1 $0x7F, s9;
	s14 =	sor.u32 @!p1 s15, s14  }
0x2b: {  	s15 =	sor.u32 @!p1 s16, s14  }
0x2c: {  	s16 =	smulhi.u32 @!p1 $0x51EB851F, s15;
	_ =	sdelay $0x1  }
0x2d: {  	s14 =	smulhi.u32 @!p1 $0x51EB851F, s14;
	s16 =	sshrl.u32 @!p1 s16, $0xC  }
0x2e: {  	s16 =	smul.u32 @!p1 $0x3200, s16  }
0x2f: {  	s31 =	sadd.s32 $0xFFFFFFFF, s11;
	s17 =	sxor.u32 @!p1 $0xFFFFFFFF, s11;
	s14 =	sshrl.u32 @!p1 s14, $0xC  }
0x30: {  	s17 =	sshll.u32 @!p1 s17, $0xE;
	s14 =	sand.u32 @!p1 $0xFFF, s14;
	s15 =	ssub.s32 @!p1 s15, s16  }
0x31: {  	s14 =	smul.u32 @!p1 $0x640, s14;
	s16 =	sshrl.u32 @!p1 s15, $0x3;
	s15 =	sand.u32 @!p1 $0x7, s15  }
0x32: {  	s17 =	sand.u32 @!p1 $0x4000, s17;
	s16 =	sadd.s32 @!p1 s6, s16;
	s15 =	sshll.u32 @!p1 s15, $0x12  }
0x33: {  	s14 =	sadd.s32 @!p1 s14, s16;
	s15 =	sor.u32 @!p1 $0x400, s15;
	s16 =	simm.s32 @!p1 $0x19000  }
0x34: {  	[tilespmem:s17], [sflag:$0x1] =	stream.strided.gather @!p1 [hbm4b:s14+s15], $0x4000, s16, s15, $0x38;
	[tilespmem:$0x10100] =	vst v63  }
0x35: {  	p1 =	sge.u32 s31, s5  }
.Ltmp2:
0x36: {  	_ = 	snop;
	(pc) =	sbr.rel @p1 .LBB1_5-.Ltmp2, $1  }
0x37: {  	_ =	sdelay $0x3  }
0x38: {  	s14 =	simm.s32 $0x1  }
0x39: {  	_ =	swait.ge [sflag:s4], $0x4000;
	s14 =	simm.s32 @!p0 $0x0  }
0x3a: {  	[sflag:s4] =	ssyncset.done $0x0;
	s15 =	sshll.u32 s14, $0xE  }
0x3b: {  	[sflag:s4] =	ssyncadd.s32 $0xFFFFC000;
	s17 =	sor.u32 $0x40, s15  }
0x3c: {  	s14 =	smul.u32 $0x10200, s14;
	v0 =	vld [tilespmem:s17+$0x30]  }
0x3d: {  	v1 =	vld [tilespmem:s17+$0xFFFFFFD0]  }
0x3e: {  	s14 =	sshrl.u32 s14, $0x2;
	v5 =	vld [tilespmem:s17+$0xFFFFFFE0]  }
0x3f: {  	v6 =	vld [tilespmem:s17+$0xFFFFFFF0];
	s15 =	sor.u32 $0x8000, s14  }
0x40: {  	s31 =	sand.u32 $0x1, s11;
	v4 =	vld [tilespmem:s17+$0x0];
	s16 =	sadd.s32 $0x0, s15  }
0x41: {  	v3 =	vld [tilespmem:s17+$0x10];
	s14 =	smul.u32 $0x10200, s31;
	[tilespmem:s16+$0x3870 ss:$0x81] =	vst.msk $0xffff, v0  }
0x42: {  	v2 =	vld [tilespmem:s17+$0x20];
	[tilespmem:s16+$0x810 ss:$0x81] =	vst.msk $0xffff, v1  }
0x43: {  	s14 =	sshrl.u32 s14, $0x2;
	v0 =	vld [tilespmem:s17+$0xFFFFFFC0];
	[tilespmem:s16+$0x1020 ss:$0x81] =	vst.msk $0xffff, v5;
	s17 =	sadd.s32 $0x80, s17  }
0x44: {  	s18 =	simm.s32 $0x4;
	s19 =	simm.s32 $0x8;
	s14 =	sor.u32 $0x8000, s14;
	[tilespmem:s16+$0x1830 ss:$0x81] =	vst.msk $0xffff, v6;
	v1 =	vld [tilespmem:s17+$0x30]  }
.LBB1_3:
0x45: {  	p1 =	sne.s32 s19, $0x1FC;
	v5 =	vld [tilespmem:s17+$0xFFFFFFD0];
	[tilespmem:s16+$0x2040 ss:$0x81] =	vst.msk $0xffff, v4  }
0x46: {  	v6 =	vld [tilespmem:s17+$0xFFFFFFE0];
	[tilespmem:s16+$0x2850 ss:$0x81] =	vst.msk $0xffff, v3  }
0x47: {  	s20 =	sshra.s32 s18, $0x2;
	s18 =	smov.u32 s19;
	v7 =	vld [tilespmem:s17+$0xFFFFFFF0];
	[tilespmem:s16+$0x3060 ss:$0x81] =	vst.msk $0xffff, v2  }
.Ltmp3:
0x48: {  	v4 =	vld [tilespmem:s17+$0x0];
	[tilespmem:s16+$0x0 ss:$0x81] =	vst.msk $0xffff, v0;
	s16 =	sadd.s32 s20, s15;
	(pc) =	sbr.rel @p1 .LBB1_3-.Ltmp3, $4  }
0x49: {  	v3 =	vld [tilespmem:s17+$0x10];
	[tilespmem:s16+$0x3870 ss:$0x81] =	vst.msk $0xffff, v1  }
0x4a: {  	[tilespmem:s16+$0x810 ss:$0x81] =	vst.msk $0xffff, v5;
	v2 =	vld [tilespmem:s17+$0x20]  }
0x4b: {  	v0 =	vld [tilespmem:s17+$0xFFFFFFC0];
	[tilespmem:s16+$0x1020 ss:$0x81] =	vst.msk $0xffff, v6;
	s17 =	sadd.s32 $0x80, s17  }
0x4c: {  	s19 =	sadd.s32 $0x4, s19;
	v1 =	vld [tilespmem:s17+$0x30];
	[tilespmem:s16+$0x1830 ss:$0x81] =	vst.msk $0xffff, v7  }
.Ltmp4:
0x4d: {  	_ = 	snop;
	(pc) =	sbr.rel .LBB1_4-.Ltmp4, $1  }
0x4e: {  	_ =	sdelay $0x3  }
.LBB1_6:
0x4f: {  	_ =	sfence.sel $0x180000  }
0x50: {  	s2 =	simm.s32 $0x1;
	[bflag:$0x0] =	sbarrier.arrive $0xFFFF  }
0x51: {  	s31 =	simm.s32 $0x2;
	[sflag:s2] =	ssyncpa.u1 $0x1  }
0x52: {  	[sflag:s31] =	ssyncpa.u1 $0x1  }
0x53: {  	p0 =	sne.s32 s0, $0x0;
	_ =	strace $0x9000004A  }
0x54: {  	s0 =	sadd.s32 @!p0 $0x100000, s1;
	[bflag:$0x2] =	sbarrier.arrive $0xFFFF  }
0x55: {  	[sflag:s0] =	ssyncadd.tile.s32 @!p0 $0x1;
	_ =	shalt  }
.Lfunc_end1:
_tile_overlayer_lowered:
.L_overlay_start_2:
0x56: {  	(tag) =	ssettag $0x2  }
0x57: {  	s0 =	rddreg [dreg:$0x0];
	s2 =	stileid.u32  }
0x58: {  	s1 =	rddreg [dreg:$0x1];
	p0 =	sne.s32 s2, $0x0  }
0x59: {  	s3 =	rddreg [dreg:$0x2];
	[bflag:$0x3] =	sbarrier.arrive $0xFFFF;
	s2 =	simm.s32 @!p0 $0x1C01  }
0x5a: {  	[timem:s3], [sflag:s2] =	dma.local @!p0 [hbm:s0], s1  }
0x5b: {  	s0 =	simm.s32 @!p0 $0x1  }
0x5c: {  	_ =	swait.ge @!p0 [sflag:s0], s1  }
0x5d: {  	s1 =	ssub.s32 @!p0 $0x0, s1;
	[sflag:s0] =	ssyncset.done @!p0 $0x0  }
0x5e: {  	[sflag:s0] =	ssyncadd.s32 @!p0 s1  }
0x5f: {  	[bflag:$0x3] =	sbarrier.arrive $0xFFFF  }
0x60: {  	_ =	shalt  }

</sc_bundles>
